<compile_context>
chip_gen: v7x
topology: tpu7x:2x2x1
jax: 0.10.2.dev20260603
libtpu: 0.0.44.dev20260713+nightly
codegen_flags: <defaults>
</compile_context>

<pallas_src>
import functools

import jax
import jax.numpy as jnp
from jax import lax
from jax.experimental import pallas as pl
from jax.experimental.pallas import tpu as pltpu
from jax.experimental.pallas import tpu_sc as plsc

N = 10000
E = 320000
DIN = 128
H = 256
DOUT = 2
G = 64

NC = 2
NT = 16
NW = NC * NT
CHUNK = 128
NCH_T = 160
E_PAD = NT * NCH_T * CHUNK
IB = 32
CHUNK_D = 128
NCH_W = 80
E_PAD_D = NW * NCH_W * CHUNK_D
N_PAD = 10240
ROWS_PT = N_PAD // NT
BLK = 512
NBLK = N_PAD // BLK
DEGW = 16

_mesh = functools.partial(plsc.VectorSubcoreMesh,
                          core_axis_name="c", subcore_axis_name="s",
                          num_cores=NC, num_subcores=NT)


def _make_deg_kernel():

    @functools.partial(
        pl.kernel,
        out_type=jax.ShapeDtypeStruct((NC, N_PAD, DEGW), jnp.float32),
        mesh=_mesh(),
        compiler_params=pltpu.CompilerParams(use_tc_tiling_on_sc=False),
        scratch_types=[
            pltpu.VMEM((NCH_W, CHUNK_D), jnp.int32),
            pltpu.VMEM((CHUNK_D, DEGW), jnp.float32),
            pltpu.VMEM_SHARED((N_PAD, DEGW), jnp.float32),
        ],
    )
    def deg_kernel(dst_hbm, ones_hbm, out_hbm, idx_dst, ones_v, acc):
        c = lax.axis_index("c")
        s = lax.axis_index("s")
        wid = s * NC + c
        r0 = s * ROWS_PT
        pltpu.sync_copy(dst_hbm.at[wid], idx_dst)
        pltpu.sync_copy(ones_hbm.at[pl.ds(0, CHUNK_D)], ones_v)
        pltpu.sync_copy(ones_hbm.at[pl.ds(r0, ROWS_PT)],
                        acc.at[pl.ds(r0, ROWS_PT)])
        plsc.subcore_barrier()

        def step(j, carry):
            pltpu.sync_copy(ones_v, acc.at[idx_dst.at[j]], add=True)
            return carry

        lax.fori_loop(0, NCH_W, step, 0)
        plsc.subcore_barrier()
        pltpu.sync_copy(acc.at[pl.ds(r0, ROWS_PT)],
                        out_hbm.at[c, pl.ds(r0, ROWS_PT)])

    return deg_kernel


def _make_mp_kernel():

    @functools.partial(
        pl.kernel,
        out_type=jax.ShapeDtypeStruct((NC, N_PAD, H // 2), jnp.float32),
        mesh=_mesh(),
        scratch_types=[
            pltpu.VMEM((IB, CHUNK), jnp.int32),
            pltpu.VMEM((IB, CHUNK), jnp.int32),
            pltpu.VMEM((CHUNK, H // 2), jnp.float32),
            pltpu.VMEM((CHUNK, H // 2), jnp.float32),
            pltpu.VMEM_SHARED((N_PAD, H // 2), jnp.float32),
            pltpu.SemaphoreType.DMA,
            pltpu.SemaphoreType.DMA,
        ],
    )
    def mp_kernel(xs_hbm, src_hbm, dst_hbm, out_hbm,
                  idx_src, idx_dst, buf0, buf1, acc, gsem0, gsem1):
        c = lax.axis_index("c")
        s = lax.axis_index("s")
        r0 = s * ROWS_PT
        pltpu.sync_copy(xs_hbm.at[pl.ds(c * N_PAD + r0, ROWS_PT)],
                        acc.at[pl.ds(r0, ROWS_PT)])
        plsc.subcore_barrier()

        def blk(jb, carry):
            pltpu.sync_copy(src_hbm.at[c, s, pl.ds(jb * IB, IB)], idx_src)
            pltpu.sync_copy(dst_hbm.at[s, pl.ds(jb * IB, IB)], idx_dst)
            pltpu.async_copy(xs_hbm.at[idx_src.at[0]], buf0, gsem0)
            pltpu.async_copy(xs_hbm.at[idx_src.at[1]], buf1, gsem1)

            def pair(p, carry2):
                j = 2 * p
                pltpu.make_async_copy(xs_hbm.at[idx_src.at[j]],
                                      buf0, gsem0).wait()
                pltpu.sync_copy(buf0, acc.at[idx_dst.at[j]], add=True)

                @pl.when(j + 2 < IB)
                def _prefetch0():
                    pltpu.async_copy(xs_hbm.at[idx_src.at[j + 2]],
                                     buf0, gsem0)

                pltpu.make_async_copy(xs_hbm.at[idx_src.at[j + 1]],
                                      buf1, gsem1).wait()
                pltpu.sync_copy(buf1, acc.at[idx_dst.at[j + 1]], add=True)

                @pl.when(j + 3 < IB)
                def _prefetch1():
                    pltpu.async_copy(xs_hbm.at[idx_src.at[j + 3]],
                                     buf1, gsem1)
                return carry2

            lax.fori_loop(0, IB // 2, pair, 0)
            return carry

        lax.fori_loop(0, NCH_T // IB, blk, 0)
        plsc.subcore_barrier()
        pltpu.sync_copy(acc.at[pl.ds(r0, ROWS_PT)],
                        out_hbm.at[c, pl.ds(r0, ROWS_PT)])

    return mp_kernel


def _p1_call(deg, x_pad, W1):

    def body(deg_ref, x_ref, w_ref, dinv_ref, xsw_ref):
        d = deg_ref[0] + deg_ref[1]
        dv = 1.0 / jnp.sqrt(d[:, 0:1] - 1.0)
        dinv_ref[...] = jnp.broadcast_to(dv, (BLK, DIN))
        hw = jnp.dot(x_ref[...], w_ref[...],
                     preferred_element_type=jnp.float32)
        xsw = hw * dv
        xsw_ref[0] = xsw[:, : H // 2]
        xsw_ref[1] = xsw[:, H // 2:]

    return pl.pallas_call(
        body,
        grid=(NBLK,),
        in_specs=[
            pl.BlockSpec((NC, BLK, DEGW), lambda i: (0, i, 0)),
            pl.BlockSpec((BLK, DIN), lambda i: (i, 0)),
            pl.BlockSpec((DIN, H), lambda i: (0, 0)),
        ],
        out_specs=[
            pl.BlockSpec((BLK, DIN), lambda i: (i, 0)),
            pl.BlockSpec((NC, BLK, H // 2), lambda i: (0, i, 0)),
        ],
        out_shape=[
            jax.ShapeDtypeStruct((N_PAD, DIN), jnp.float32),
            jax.ShapeDtypeStruct((NC, N_PAD, H // 2), jnp.float32),
        ],
    )(deg, x_pad, W1)


def _p2_call(y3, dinv, W2, b1):

    def body(y_ref, dinv_ref, w_ref, b_ref, xsw_ref):
        dv = dinv_ref[...][:, 0:1]
        h1 = jnp.concatenate([y_ref[0], y_ref[1]], axis=1) * dv
        h1 = jnp.maximum(h1 + b_ref[...], 0.0)
        hw2 = jnp.dot(h1, w_ref[...], preferred_element_type=jnp.float32)
        xsw2 = hw2 * dv
        xsw_ref[0] = xsw2[:, : H // 2]
        xsw_ref[1] = xsw2[:, H // 2:]

    return pl.pallas_call(
        body,
        grid=(NBLK,),
        in_specs=[
            pl.BlockSpec((NC, BLK, H // 2), lambda i: (0, i, 0)),
            pl.BlockSpec((BLK, DIN), lambda i: (i, 0)),
            pl.BlockSpec((H, H), lambda i: (0, 0)),
            pl.BlockSpec((1, H), lambda i: (0, 0)),
        ],
        out_specs=pl.BlockSpec((NC, BLK, H // 2), lambda i: (0, i, 0)),
        out_shape=jax.ShapeDtypeStruct((NC, N_PAD, H // 2), jnp.float32),
    )(y3, dinv, W2, b1)


def _p3_call(q3, dinv, b2, batch3, Wo1, bo1, gamma, beta, Wo2, bo2):

    def body(q_ref, dinv_ref, b_ref, batch_ref,
             wo1_ref, bo1_ref, g_ref, be_ref, wo2_ref, bo2_ref,
             out_ref, sums, cnts):
        i = pl.program_id(0)

        @pl.when(i == 0)
        def _init():
            sums[...] = jnp.zeros_like(sums)
            cnts[...] = jnp.zeros_like(cnts)

        dv = dinv_ref[...][:, 0:1]
        h2 = jnp.concatenate([q_ref[0], q_ref[1]], axis=1) * dv
        h2 = jnp.maximum(h2 + b_ref[...], 0.0)
        bb = batch_ref[0, 0]
        onehot = (lax.broadcasted_iota(jnp.int32, (G, BLK), 0)
                  == bb[None, :]).astype(jnp.float32)
        sums[...] += jnp.dot(onehot, h2, preferred_element_type=jnp.float32,
                             precision=lax.Precision.HIGHEST)
        cnts[...] += jnp.broadcast_to(
            jnp.sum(onehot, axis=1, keepdims=True), (G, DIN))

        @pl.when(i == NBLK - 1)
        def _fin():
            pooled = sums[...] / jnp.maximum(cnts[...][:, 0:1], 1.0)
            z = jnp.dot(pooled, wo1_ref[...],
                        preferred_element_type=jnp.float32) + bo1_ref[...]
            mu = jnp.mean(z, axis=0, keepdims=True)
            var = jnp.mean((z - mu) ** 2, axis=0, keepdims=True)
            zn = (z - mu) / jnp.sqrt(var + 1e-5) * g_ref[...] + be_ref[...]
            zn = jnp.maximum(zn, 0.0)
            out_ref[...] = jnp.dot(zn, wo2_ref[...],
                                   preferred_element_type=jnp.float32) \
                + bo2_ref[...]

    return pl.pallas_call(
        body,
        grid=(NBLK,),
        in_specs=[
            pl.BlockSpec((NC, BLK, H // 2), lambda i: (0, i, 0)),
            pl.BlockSpec((BLK, DIN), lambda i: (i, 0)),
            pl.BlockSpec((1, H), lambda i: (0, 0)),
            pl.BlockSpec((1, 1, BLK), lambda i: (i, 0, 0)),
            pl.BlockSpec((H, H), lambda i: (0, 0)),
            pl.BlockSpec((1, H), lambda i: (0, 0)),
            pl.BlockSpec((1, H), lambda i: (0, 0)),
            pl.BlockSpec((1, H), lambda i: (0, 0)),
            pl.BlockSpec((H, DOUT), lambda i: (0, 0)),
            pl.BlockSpec((1, DOUT), lambda i: (0, 0)),
        ],
        out_specs=pl.BlockSpec((G, DOUT), lambda i: (0, 0)),
        out_shape=jax.ShapeDtypeStruct((G, DOUT), jnp.float32),
        scratch_shapes=[
            pltpu.VMEM((G, H), jnp.float32),
            pltpu.VMEM((G, DIN), jnp.float32),
        ],
    )(q3, dinv, b2, batch3, Wo1, bo1, gamma, beta, Wo2, bo2)


def kernel(x, edge_index, batch, W1, b1, W2, b2,
           Wo1, bo1, gamma, beta, Wo2, bo2):
    deg_kernel = _make_deg_kernel()
    mp = _make_mp_kernel()

    fill = jnp.full((E_PAD - E,), N, jnp.int32)
    srcp = jnp.concatenate([edge_index[0], fill])
    dstp = jnp.concatenate([edge_index[1], fill])
    src3 = srcp.reshape(NT, NCH_T, CHUNK)
    src4 = jnp.stack([src3, src3 + N_PAD])
    dst3 = dstp.reshape(NT, NCH_T, CHUNK)
    fill_d = jnp.full((E_PAD_D - E,), N, jnp.int32)
    dstw = jnp.concatenate([edge_index[1], fill_d]).reshape(
        NW, NCH_W, CHUNK_D)
    ones_h = jnp.ones((N_PAD, DEGW), jnp.float32)
    x_pad = jnp.pad(x, ((0, N_PAD - N), (0, 0)))
    batch3 = jnp.pad(batch, (0, N_PAD - N),
                     constant_values=G).reshape(NBLK, 1, BLK)

    deg = deg_kernel(dstw, ones_h)
    dinv, xsw = _p1_call(deg, x_pad, W1)
    y3 = mp(xsw.reshape(NC * N_PAD, H // 2), src4, dst3)
    xsw2 = _p2_call(y3, dinv, W2, b1.reshape(1, H))
    q3 = mp(xsw2.reshape(NC * N_PAD, H // 2), src4, dst3)
    out = _p3_call(q3, dinv, b2.reshape(1, H), batch3,
                   Wo1, bo1.reshape(1, H), gamma.reshape(1, H),
                   beta.reshape(1, H), Wo2, bo2.reshape(1, DOUT))
    return out

# --- scband reference (transcript-rebuilt; emitter-appended) ---
"""Pipeline reference for scband-gcn-model-v2-54606214201743 (READ-ONLY COPY).

The authoritative reference and input builder live on the scoring server;
editing this copy changes nothing except your own understanding.
"""

import jax, jax.numpy as jnp
import numpy as np

N = 10000
E = 320000
DIN = 128
H = 256
DOUT = 2
G = 64


def setup_inputs(seed: int = 0) -> dict:
    key = jax.random.key(seed)
    ks = jax.random.split(key, 14)
    x = jax.random.normal(ks[0], (N, DIN), dtype=jnp.float32)
    edge_index = jax.random.randint(ks[1], (2, E), 0, N, dtype=jnp.int32)
    batch = jnp.sort(jax.random.randint(ks[2], (N,), 0, G, dtype=jnp.int32))
    # GCNConv layer 1: in=DIN -> H
    W1 = jax.random.normal(ks[3], (DIN, H), dtype=jnp.float32) * (1.0 / np.sqrt(DIN))
    b1 = jnp.zeros((H,), dtype=jnp.float32)
    # GCNConv layer 2: H -> H
    W2 = jax.random.normal(ks[4], (H, H), dtype=jnp.float32) * (1.0 / np.sqrt(H))
    b2 = jnp.zeros((H,), dtype=jnp.float32)
    # output network: Linear(H,H) -> BatchNorm1d(H) -> ReLU -> Dropout(eval: identity) -> Linear(H,DOUT)
    Wo1 = jax.random.normal(ks[5], (H, H), dtype=jnp.float32) * (1.0 / np.sqrt(H))
    bo1 = jnp.zeros((H,), dtype=jnp.float32)
    gamma = jnp.ones((H,), dtype=jnp.float32)
    beta = jnp.zeros((H,), dtype=jnp.float32)
    Wo2 = jax.random.normal(ks[6], (H, DOUT), dtype=jnp.float32) * (1.0 / np.sqrt(H))
    bo2 = jnp.zeros((DOUT,), dtype=jnp.float32)
    return {"x": x, "edge_index": edge_index, "batch": batch,
            "W1": W1, "b1": b1, "W2": W2, "b2": b2,
            "Wo1": Wo1, "bo1": bo1, "gamma": gamma, "beta": beta,
            "Wo2": Wo2, "bo2": bo2}


def _gcn_conv(x, edge_index, W, b):
    # GCNConv: h = D^{-1/2} (A + I) D^{-1/2} (x W) + b
    h = x @ W
    src = edge_index[0]
    dst = edge_index[1]
    loop = jnp.arange(N, dtype=src.dtype)
    src = jnp.concatenate([src, loop])
    dst = jnp.concatenate([dst, loop])
    deg = jnp.zeros((N,), dtype=h.dtype).at[dst].add(1.0)
    dinv = jnp.where(deg > 0, 1.0 / jnp.sqrt(deg), 0.0)
    norm = dinv[src] * dinv[dst]
    msg = h[src] * norm[:, None]
    out = jnp.zeros((N, h.shape[1]), dtype=h.dtype).at[dst].add(msg)
    return out + b


def reference(x, edge_index, batch, W1, b1, W2, b2, Wo1, bo1, gamma, beta, Wo2, bo2):
    h = jax.nn.relu(_gcn_conv(x, edge_index, W1, b1))
    h = jax.nn.relu(_gcn_conv(h, edge_index, W2, b2))
    # global_mean_pool over graph ids
    sums = jnp.zeros((G, H), dtype=h.dtype).at[batch].add(h)
    cnt = jnp.zeros((G,), dtype=h.dtype).at[batch].add(1.0)
    pooled = sums / jnp.maximum(cnt, 1.0)[:, None]
    # output network
    z = pooled @ Wo1 + bo1
    # BatchNorm1d (training-mode batch statistics)
    mu = jnp.mean(z, axis=0)
    var = jnp.var(z, axis=0)
    z = (z - mu) / jnp.sqrt(var + 1e-5) * gamma + beta
    z = jax.nn.relu(z)
    # Dropout treated as identity (eval mode)
    out = z @ Wo2 + bo2
    return out

if __name__ == "__main__":
    import jax
    _d = setup_inputs()
    print(jax.jit(kernel)(*tuple(_d.values())))

</pallas_src>

<mosaic_0001>
#map = affine_map<(d0, d1) -> (0, 0, 0)>
#map1 = affine_map<(d0, d1) -> (0, 0)>
module attributes {stable_mosaic.version = 14 : i64} {
  func.func @deg_kernel(%arg0: i32, %arg1: i32, %arg2: memref<32x80x128xi32, #tpu.memory_space<hbm>>, %arg3: memref<10240x16xf32, #tpu.memory_space<hbm>>, %arg4: memref<2x10240x16xf32, #tpu.memory_space<hbm>>, %arg5: memref<80x128xi32, #tpu.memory_space<vmem>>, %arg6: memref<128x16xf32, #tpu.memory_space<vmem>>, %arg7: memref<10240x16xf32, #tpu.memory_space<vmem_shared>>) attributes {dimension_semantics = [#tpu.dimension_semantics<core_parallel>, #tpu.dimension_semantics<subcore_parallel>], iteration_bounds = array<i64: 2, 16>, scalar_prefetch = 0 : i64, scratch_operands = 3 : i64, tpu.core_type = #tpu.core_type<sc_vector_subcore>, window_params = [{transform_indices = #map}, {transform_indices = #map1}, {transform_indices = #map}]} {
    %mul3A = arith.constant 2 : i32
    %mul3A_0 = arith.muli %arg1, %mul3A : i32
    %add3A = arith.addi %mul3A_0, %arg0 : i32
    %mul3A_1 = arith.constant 640 : i32
    %mul3A_2 = arith.muli %arg1, %mul3A_1 : i32
    "tpu.region"() ({
      %run_scoped3A = tpu.sem_alloc : memref<!tpu.dma_semaphore, #tpu.memory_space<semaphore_mem>>
      %dma_start3A = arith.constant 0 : i32
      %dma_start3A_9 = arith.constant 0 : i32
      %dma_start3A_10 = tpu.memref_slice %arg2[%add3A, %dma_start3A, %dma_start3A_9] : memref<32x80x128xi32, #tpu.memory_space<hbm>> -> memref<1x80x128xi32, #tpu.memory_space<hbm>>
      %dma_start3A_11 = tpu.memref_squeeze %dma_start3A_10 : memref<1x80x128xi32, #tpu.memory_space<hbm>> -> memref<80x128xi32, #tpu.memory_space<hbm>>
      %dma_start3A_12 = arith.constant 0 : i32
      %dma_start3A_13 = arith.constant 0 : i32
      %dma_start3A_14 = tpu.memref_slice %arg2[%add3A, %dma_start3A_12, %dma_start3A_13] : memref<32x80x128xi32, #tpu.memory_space<hbm>> -> memref<1x80x128xi32, #tpu.memory_space<hbm>>
      %dma_start3A_15 = tpu.memref_squeeze %dma_start3A_14 : memref<1x80x128xi32, #tpu.memory_space<hbm>> -> memref<80x128xi32, #tpu.memory_space<hbm>>
      tpu.enqueue_dma source(%dma_start3A_15 : memref<80x128xi32, #tpu.memory_space<hbm>>) target(%arg5 : memref<80x128xi32, #tpu.memory_space<vmem>>) target_semaphore(%run_scoped3A : memref<!tpu.dma_semaphore, #tpu.memory_space<semaphore_mem>>)
      %dma_wait3A = arith.constant 0 : i32
      %dma_wait3A_16 = arith.constant 0 : i32
      %dma_wait3A_17 = tpu.memref_slice %arg2[%add3A, %dma_wait3A, %dma_wait3A_16] : memref<32x80x128xi32, #tpu.memory_space<hbm>> -> memref<1x80x128xi32, #tpu.memory_space<hbm>>
      %dma_wait3A_18 = tpu.memref_squeeze %dma_wait3A_17 : memref<1x80x128xi32, #tpu.memory_space<hbm>> -> memref<80x128xi32, #tpu.memory_space<hbm>>
      %dma_wait3A_19 = arith.constant 0 : i32
      %dma_wait3A_20 = arith.constant 0 : i32
      %dma_wait3A_21 = tpu.memref_slice %arg2[%add3A, %dma_wait3A_19, %dma_wait3A_20] : memref<32x80x128xi32, #tpu.memory_space<hbm>> -> memref<1x80x128xi32, #tpu.memory_space<hbm>>
      %dma_wait3A_22 = tpu.memref_squeeze %dma_wait3A_21 : memref<1x80x128xi32, #tpu.memory_space<hbm>> -> memref<80x128xi32, #tpu.memory_space<hbm>>
      tpu.wait_dma2 semaphore(%run_scoped3A : memref<!tpu.dma_semaphore, #tpu.memory_space<semaphore_mem>>) src(%dma_wait3A_22 : memref<80x128xi32, #tpu.memory_space<hbm>>) dst(%arg5 : memref<80x128xi32, #tpu.memory_space<vmem>>)
      tpu.yield
    }) : () -> ()
    "tpu.region"() ({
      %run_scoped3A = tpu.sem_alloc : memref<!tpu.dma_semaphore, #tpu.memory_space<semaphore_mem>>
      %dma_start3A = arith.constant 0 : i32
      %dma_start3A_9 = arith.constant 0 : i32
      %dma_start3A_10 = tpu.memref_slice %arg3[%dma_start3A, %dma_start3A_9] : memref<10240x16xf32, #tpu.memory_space<hbm>> -> memref<128x16xf32, #tpu.memory_space<hbm>>
      %dma_start3A_11 = arith.constant 0 : i32
      %dma_start3A_12 = arith.constant 0 : i32
      %dma_start3A_13 = tpu.memref_slice %arg3[%dma_start3A_11, %dma_start3A_12] : memref<10240x16xf32, #tpu.memory_space<hbm>> -> memref<128x16xf32, #tpu.memory_space<hbm>>
      tpu.enqueue_dma source(%dma_start3A_13 : memref<128x16xf32, #tpu.memory_space<hbm>>) target(%arg6 : memref<128x16xf32, #tpu.memory_space<vmem>>) target_semaphore(%run_scoped3A : memref<!tpu.dma_semaphore, #tpu.memory_space<semaphore_mem>>)
      %dma_wait3A = arith.constant 0 : i32
      %dma_wait3A_14 = arith.constant 0 : i32
      %dma_wait3A_15 = tpu.memref_slice %arg3[%dma_wait3A, %dma_wait3A_14] : memref<10240x16xf32, #tpu.memory_space<hbm>> -> memref<128x16xf32, #tpu.memory_space<hbm>>
      %dma_wait3A_16 = arith.constant 0 : i32
      %dma_wait3A_17 = arith.constant 0 : i32
      %dma_wait3A_18 = tpu.memref_slice %arg3[%dma_wait3A_16, %dma_wait3A_17] : memref<10240x16xf32, #tpu.memory_space<hbm>> -> memref<128x16xf32, #tpu.memory_space<hbm>>
      tpu.wait_dma2 semaphore(%run_scoped3A : memref<!tpu.dma_semaphore, #tpu.memory_space<semaphore_mem>>) src(%dma_wait3A_18 : memref<128x16xf32, #tpu.memory_space<hbm>>) dst(%arg6 : memref<128x16xf32, #tpu.memory_space<vmem>>)
      tpu.yield
    }) : () -> ()
    "tpu.region"() ({
      %run_scoped3A = tpu.sem_alloc : memref<!tpu.dma_semaphore, #tpu.memory_space<semaphore_mem>>
      %dma_start3A = arith.constant 0 : i32
      %dma_start3A_9 = tpu.memref_slice %arg7[%mul3A_2, %dma_start3A] : memref<10240x16xf32, #tpu.memory_space<vmem_shared>> -> memref<640x16xf32, #tpu.memory_space<vmem_shared>>
      %dma_start3A_10 = arith.constant 0 : i32
      %dma_start3A_11 = tpu.memref_slice %arg3[%mul3A_2, %dma_start3A_10] : memref<10240x16xf32, #tpu.memory_space<hbm>> -> memref<640x16xf32, #tpu.memory_space<hbm>>
      tpu.enqueue_dma source(%dma_start3A_11 : memref<640x16xf32, #tpu.memory_space<hbm>>) target(%dma_start3A_9 : memref<640x16xf32, #tpu.memory_space<vmem_shared>>) target_semaphore(%run_scoped3A : memref<!tpu.dma_semaphore, #tpu.memory_space<semaphore_mem>>)
      %dma_wait3A = arith.constant 0 : i32
      %dma_wait3A_12 = tpu.memref_slice %arg7[%mul3A_2, %dma_wait3A] : memref<10240x16xf32, #tpu.memory_space<vmem_shared>> -> memref<640x16xf32, #tpu.memory_space<vmem_shared>>
      %dma_wait3A_13 = arith.constant 0 : i32
      %dma_wait3A_14 = tpu.memref_slice %arg3[%mul3A_2, %dma_wait3A_13] : memref<10240x16xf32, #tpu.memory_space<hbm>> -> memref<640x16xf32, #tpu.memory_space<hbm>>
      tpu.wait_dma2 semaphore(%run_scoped3A : memref<!tpu.dma_semaphore, #tpu.memory_space<semaphore_mem>>) src(%dma_wait3A_14 : memref<640x16xf32, #tpu.memory_space<hbm>>) dst(%dma_wait3A_12 : memref<640x16xf32, #tpu.memory_space<vmem_shared>>)
      tpu.yield
    }) : () -> ()
    %barrier3A = arith.constant 0 : index
    tpu.barrier barrier_id(%barrier3A)
    %scan3A = arith.constant 0 : i32
    %scan3A_3 = arith.constant 0 : i32
    %scan3A_4 = arith.constant 80 : i32
    %scan3A_5 = arith.addi %scan3A_3, %scan3A_4 : i32
    %scan3A_6 = arith.constant 1 : i32
    scf.for %scan3A_9 = %scan3A_3 to %scan3A_5 step %scan3A_6  : i32 {
      "tpu.region"() ({
        %run_scoped3A = tpu.sem_alloc : memref<!tpu.dma_semaphore, #tpu.memory_space<semaphore_mem>>
        %dma_start3A = arith.constant 0 : i32
        %dma_start3A_10 = tpu.memref_slice %arg5[%scan3A_9, %dma_start3A] : memref<80x128xi32, #tpu.memory_space<vmem>> -> memref<1x128xi32, #tpu.memory_space<vmem>>
        %dma_start3A_11 = tpu.memref_squeeze %dma_start3A_10 : memref<1x128xi32, #tpu.memory_space<vmem>> -> memref<128xi32, #tpu.memory_space<vmem>>
        %dma_start3A_12 = arith.constant 0 : i32
        %dma_start3A_13 = arith.constant 0 : i32
        %dma_start3A_14 = tpu.memref_slice %arg7[%dma_start3A_12, %dma_start3A_13] : memref<10240x16xf32, #tpu.memory_space<vmem_shared>> -> memref<10240x16xf32, #tpu.memory_space<vmem_shared>>
        tpu.enqueue_indirect_dma source(%arg6 : memref<128x16xf32, #tpu.memory_space<vmem>>) target(%dma_start3A_14 : memref<10240x16xf32, #tpu.memory_space<vmem_shared>>) offsets(%dma_start3A_11 : memref<128xi32, #tpu.memory_space<vmem>>) semaphore(%run_scoped3A : memref<!tpu.dma_semaphore, #tpu.memory_space<semaphore_mem>>) {add = true}
        %dma_wait3A = arith.constant 0 : i32
        %dma_wait3A_15 = tpu.memref_slice %arg5[%scan3A_9, %dma_wait3A] : memref<80x128xi32, #tpu.memory_space<vmem>> -> memref<1x128xi32, #tpu.memory_space<vmem>>
        %dma_wait3A_16 = tpu.memref_squeeze %dma_wait3A_15 : memref<1x128xi32, #tpu.memory_space<vmem>> -> memref<128xi32, #tpu.memory_space<vmem>>
        %dma_wait3A_17 = arith.constant 0 : i32
        %dma_wait3A_18 = arith.constant 0 : i32
        %dma_wait3A_19 = tpu.memref_slice %arg7[%dma_wait3A_17, %dma_wait3A_18] : memref<10240x16xf32, #tpu.memory_space<vmem_shared>> -> memref<10240x16xf32, #tpu.memory_space<vmem_shared>>
        tpu.wait_indirect_dma semaphore(%run_scoped3A : memref<!tpu.dma_semaphore, #tpu.memory_space<semaphore_mem>>) src(%arg6 : memref<128x16xf32, #tpu.memory_space<vmem>>) dst(%dma_wait3A_19 : memref<10240x16xf32, #tpu.memory_space<vmem_shared>>)
        tpu.yield
      }) : () -> ()
    }
    %scan3A_7 = arith.constant 80 : i32
    %barrier3A_8 = arith.constant 0 : index
    tpu.barrier barrier_id(%barrier3A_8)
    "tpu.region"() ({
      %run_scoped3A = tpu.sem_alloc : memref<!tpu.dma_semaphore, #tpu.memory_space<semaphore_mem>>
      %dma_start3A = arith.constant 0 : i32
      %dma_start3A_9 = tpu.memref_slice %arg4[%arg0, %mul3A_2, %dma_start3A] : memref<2x10240x16xf32, #tpu.memory_space<hbm>> -> memref<1x640x16xf32, #tpu.memory_space<hbm>>
      %dma_start3A_10 = tpu.memref_squeeze %dma_start3A_9 : memref<1x640x16xf32, #tpu.memory_space<hbm>> -> memref<640x16xf32, #tpu.memory_space<hbm>>
      %dma_start3A_11 = arith.constant 0 : i32
      %dma_start3A_12 = tpu.memref_slice %arg7[%mul3A_2, %dma_start3A_11] : memref<10240x16xf32, #tpu.memory_space<vmem_shared>> -> memref<640x16xf32, #tpu.memory_space<vmem_shared>>
      tpu.enqueue_dma source(%dma_start3A_12 : memref<640x16xf32, #tpu.memory_space<vmem_shared>>) target(%dma_start3A_10 : memref<640x16xf32, #tpu.memory_space<hbm>>) target_semaphore(%run_scoped3A : memref<!tpu.dma_semaphore, #tpu.memory_space<semaphore_mem>>)
      %dma_wait3A = arith.constant 0 : i32
      %dma_wait3A_13 = tpu.memref_slice %arg4[%arg0, %mul3A_2, %dma_wait3A] : memref<2x10240x16xf32, #tpu.memory_space<hbm>> -> memref<1x640x16xf32, #tpu.memory_space<hbm>>
      %dma_wait3A_14 = tpu.memref_squeeze %dma_wait3A_13 : memref<1x640x16xf32, #tpu.memory_space<hbm>> -> memref<640x16xf32, #tpu.memory_space<hbm>>
      %dma_wait3A_15 = arith.constant 0 : i32
      %dma_wait3A_16 = tpu.memref_slice %arg7[%mul3A_2, %dma_wait3A_15] : memref<10240x16xf32, #tpu.memory_space<vmem_shared>> -> memref<640x16xf32, #tpu.memory_space<vmem_shared>>
      tpu.wait_dma2 semaphore(%run_scoped3A : memref<!tpu.dma_semaphore, #tpu.memory_space<semaphore_mem>>) src(%dma_wait3A_16 : memref<640x16xf32, #tpu.memory_space<vmem_shared>>) dst(%dma_wait3A_14 : memref<640x16xf32, #tpu.memory_space<hbm>>)
      tpu.yield
    }) : () -> ()
    return
  }
}

#map = affine_map<(d0, d1) -> (0, 0)>
#map1 = affine_map<(d0, d1) -> (0, 0, 0, 0)>
#map2 = affine_map<(d0, d1) -> (0, 0, 0)>
module attributes {stable_mosaic.version = 14 : i64} {
  func.func @mp_kernel(%arg0: i32, %arg1: i32, %arg2: memref<20480x128xf32, #tpu.memory_space<hbm>>, %arg3: memref<2x16x160x128xi32, #tpu.memory_space<hbm>>, %arg4: memref<16x160x128xi32, #tpu.memory_space<hbm>>, %arg5: memref<2x10240x128xf32, #tpu.memory_space<hbm>>, %arg6: memref<32x128xi32, #tpu.memory_space<vmem>>, %arg7: memref<32x128xi32, #tpu.memory_space<vmem>>, %arg8: memref<128x128xf32, #tpu.memory_space<vmem>>, %arg9: memref<128x128xf32, #tpu.memory_space<vmem>>, %arg10: memref<10240x128xf32, #tpu.memory_space<vmem_shared>>, %arg11: memref<!tpu.dma_semaphore, #tpu.memory_space<semaphore_mem>>, %arg12: memref<!tpu.dma_semaphore, #tpu.memory_space<semaphore_mem>>) attributes {dimension_semantics = [#tpu.dimension_semantics<core_parallel>, #tpu.dimension_semantics<subcore_parallel>], iteration_bounds = array<i64: 2, 16>, scalar_prefetch = 0 : i64, scratch_operands = 7 : i64, tpu.core_type = #tpu.core_type<sc_vector_subcore>, window_params = [{transform_indices = #map}, {transform_indices = #map1}, {transform_indices = #map2}, {transform_indices = #map2}]} {
    %mul3A = arith.constant 640 : i32
    %mul3A_0 = arith.muli %arg1, %mul3A : i32
    %mul3A_1 = arith.constant 10240 : i32
    %mul3A_2 = arith.muli %arg0, %mul3A_1 : i32
    %add3A = arith.addi %mul3A_2, %mul3A_0 : i32
    "tpu.region"() ({
      %run_scoped3A = tpu.sem_alloc : memref<!tpu.dma_semaphore, #tpu.memory_space<semaphore_mem>>
      %dma_start3A = arith.constant 0 : i32
      %dma_start3A_9 = tpu.memref_slice %arg10[%mul3A_0, %dma_start3A] : memref<10240x128xf32, #tpu.memory_space<vmem_shared>> -> memref<640x128xf32, #tpu.memory_space<vmem_shared>>
      %dma_start3A_10 = arith.constant 0 : i32
      %dma_start3A_11 = tpu.memref_slice %arg2[%add3A, %dma_start3A_10] : memref<20480x128xf32, #tpu.memory_space<hbm>> -> memref<640x128xf32, #tpu.memory_space<hbm>>
      tpu.enqueue_dma source(%dma_start3A_11 : memref<640x128xf32, #tpu.memory_space<hbm>>) target(%dma_start3A_9 : memref<640x128xf32, #tpu.memory_space<vmem_shared>>) target_semaphore(%run_scoped3A : memref<!tpu.dma_semaphore, #tpu.memory_space<semaphore_mem>>)
      %dma_wait3A = arith.constant 0 : i32
      %dma_wait3A_12 = tpu.memref_slice %arg10[%mul3A_0, %dma_wait3A] : memref<10240x128xf32, #tpu.memory_space<vmem_shared>> -> memref<640x128xf32, #tpu.memory_space<vmem_shared>>
      %dma_wait3A_13 = arith.constant 0 : i32
      %dma_wait3A_14 = tpu.memref_slice %arg2[%add3A, %dma_wait3A_13] : memref<20480x128xf32, #tpu.memory_space<hbm>> -> memref<640x128xf32, #tpu.memory_space<hbm>>
      tpu.wait_dma2 semaphore(%run_scoped3A : memref<!tpu.dma_semaphore, #tpu.memory_space<semaphore_mem>>) src(%dma_wait3A_14 : memref<640x128xf32, #tpu.memory_space<hbm>>) dst(%dma_wait3A_12 : memref<640x128xf32, #tpu.memory_space<vmem_shared>>)
      tpu.yield
    }) : () -> ()
    %barrier3A = arith.constant 0 : index
    tpu.barrier barrier_id(%barrier3A)
    %scan3A = arith.constant 0 : i32
    %scan3A_3 = arith.constant 0 : i32
    %scan3A_4 = arith.constant 5 : i32
    %scan3A_5 = arith.addi %scan3A_3, %scan3A_4 : i32
    %scan3A_6 = arith.constant 1 : i32
    scf.for %scan3A_9 = %scan3A_3 to %scan3A_5 step %scan3A_6  : i32 {
      %mul3A_10 = arith.constant 32 : i32
      %mul3A_11 = arith.muli %scan3A_9, %mul3A_10 : i32
      "tpu.region"() ({
        %run_scoped3A = tpu.sem_alloc : memref<!tpu.dma_semaphore, #tpu.memory_space<semaphore_mem>>
        %dma_start3A_33 = arith.constant 0 : i32
        %dma_start3A_34 = tpu.memref_slice %arg3[%arg0, %arg1, %mul3A_11, %dma_start3A_33] : memref<2x16x160x128xi32, #tpu.memory_space<hbm>> -> memref<1x1x32x128xi32, #tpu.memory_space<hbm>>
        %dma_start3A_35 = tpu.memref_squeeze %dma_start3A_34 : memref<1x1x32x128xi32, #tpu.memory_space<hbm>> -> memref<32x128xi32, #tpu.memory_space<hbm>>
        %dma_start3A_36 = arith.constant 0 : i32
        %dma_start3A_37 = tpu.memref_slice %arg3[%arg0, %arg1, %mul3A_11, %dma_start3A_36] : memref<2x16x160x128xi32, #tpu.memory_space<hbm>> -> memref<1x1x32x128xi32, #tpu.memory_space<hbm>>
        %dma_start3A_38 = tpu.memref_squeeze %dma_start3A_37 : memref<1x1x32x128xi32, #tpu.memory_space<hbm>> -> memref<32x128xi32, #tpu.memory_space<hbm>>
        tpu.enqueue_dma source(%dma_start3A_38 : memref<32x128xi32, #tpu.memory_space<hbm>>) target(%arg6 : memref<32x128xi32, #tpu.memory_space<vmem>>) target_semaphore(%run_scoped3A : memref<!tpu.dma_semaphore, #tpu.memory_space<semaphore_mem>>)
        %dma_wait3A = arith.constant 0 : i32
        %dma_wait3A_39 = tpu.memref_slice %arg3[%arg0, %arg1, %mul3A_11, %dma_wait3A] : memref<2x16x160x128xi32, #tpu.memory_space<hbm>> -> memref<1x1x32x128xi32, #tpu.memory_space<hbm>>
        %dma_wait3A_40 = tpu.memref_squeeze %dma_wait3A_39 : memref<1x1x32x128xi32, #tpu.memory_space<hbm>> -> memref<32x128xi32, #tpu.memory_space<hbm>>
        %dma_wait3A_41 = arith.constant 0 : i32
        %dma_wait3A_42 = tpu.memref_slice %arg3[%arg0, %arg1, %mul3A_11, %dma_wait3A_41] : memref<2x16x160x128xi32, #tpu.memory_space<hbm>> -> memref<1x1x32x128xi32, #tpu.memory_space<hbm>>
        %dma_wait3A_43 = tpu.memref_squeeze %dma_wait3A_42 : memref<1x1x32x128xi32, #tpu.memory_space<hbm>> -> memref<32x128xi32, #tpu.memory_space<hbm>>
        tpu.wait_dma2 semaphore(%run_scoped3A : memref<!tpu.dma_semaphore, #tpu.memory_space<semaphore_mem>>) src(%dma_wait3A_43 : memref<32x128xi32, #tpu.memory_space<hbm>>) dst(%arg6 : memref<32x128xi32, #tpu.memory_space<vmem>>)
        tpu.yield
      }) : () -> ()
      %mul3A_12 = arith.constant 32 : i32
      %mul3A_13 = arith.muli %scan3A_9, %mul3A_12 : i32
      "tpu.region"() ({
        %run_scoped3A = tpu.sem_alloc : memref<!tpu.dma_semaphore, #tpu.memory_space<semaphore_mem>>
        %dma_start3A_33 = arith.constant 0 : i32
        %dma_start3A_34 = tpu.memref_slice %arg4[%arg1, %mul3A_13, %dma_start3A_33] : memref<16x160x128xi32, #tpu.memory_space<hbm>> -> memref<1x32x128xi32, #tpu.memory_space<hbm>>
        %dma_start3A_35 = tpu.memref_squeeze %dma_start3A_34 : memref<1x32x128xi32, #tpu.memory_space<hbm>> -> memref<32x128xi32, #tpu.memory_space<hbm>>
        %dma_start3A_36 = arith.constant 0 : i32
        %dma_start3A_37 = tpu.memref_slice %arg4[%arg1, %mul3A_13, %dma_start3A_36] : memref<16x160x128xi32, #tpu.memory_space<hbm>> -> memref<1x32x128xi32, #tpu.memory_space<hbm>>
        %dma_start3A_38 = tpu.memref_squeeze %dma_start3A_37 : memref<1x32x128xi32, #tpu.memory_space<hbm>> -> memref<32x128xi32, #tpu.memory_space<hbm>>
        tpu.enqueue_dma source(%dma_start3A_38 : memref<32x128xi32, #tpu.memory_space<hbm>>) target(%arg7 : memref<32x128xi32, #tpu.memory_space<vmem>>) target_semaphore(%run_scoped3A : memref<!tpu.dma_semaphore, #tpu.memory_space<semaphore_mem>>)
        %dma_wait3A = arith.constant 0 : i32
        %dma_wait3A_39 = tpu.memref_slice %arg4[%arg1, %mul3A_13, %dma_wait3A] : memref<16x160x128xi32, #tpu.memory_space<hbm>> -> memref<1x32x128xi32, #tpu.memory_space<hbm>>
        %dma_wait3A_40 = tpu.memref_squeeze %dma_wait3A_39 : memref<1x32x128xi32, #tpu.memory_space<hbm>> -> memref<32x128xi32, #tpu.memory_space<hbm>>
        %dma_wait3A_41 = arith.constant 0 : i32
        %dma_wait3A_42 = tpu.memref_slice %arg4[%arg1, %mul3A_13, %dma_wait3A_41] : memref<16x160x128xi32, #tpu.memory_space<hbm>> -> memref<1x32x128xi32, #tpu.memory_space<hbm>>
        %dma_wait3A_43 = tpu.memref_squeeze %dma_wait3A_42 : memref<1x32x128xi32, #tpu.memory_space<hbm>> -> memref<32x128xi32, #tpu.memory_space<hbm>>
        tpu.wait_dma2 semaphore(%run_scoped3A : memref<!tpu.dma_semaphore, #tpu.memory_space<semaphore_mem>>) src(%dma_wait3A_43 : memref<32x128xi32, #tpu.memory_space<hbm>>) dst(%arg7 : memref<32x128xi32, #tpu.memory_space<vmem>>)
        tpu.yield
      }) : () -> ()
      %dma_start3A = arith.constant 0 : i32
      %dma_start3A_14 = arith.constant 0 : i32
      %dma_start3A_15 = tpu.memref_slice %arg6[%dma_start3A, %dma_start3A_14] : memref<32x128xi32, #tpu.memory_space<vmem>> -> memref<1x128xi32, #tpu.memory_space<vmem>>
      %dma_start3A_16 = tpu.memref_squeeze %dma_start3A_15 : memref<1x128xi32, #tpu.memory_space<vmem>> -> memref<128xi32, #tpu.memory_space<vmem>>
      %dma_start3A_17 = arith.constant 0 : i32
      %dma_start3A_18 = arith.constant 0 : i32
      %dma_start3A_19 = tpu.memref_slice %arg2[%dma_start3A_17, %dma_start3A_18] : memref<20480x128xf32, #tpu.memory_space<hbm>> -> memref<20480x128xf32, #tpu.memory_space<hbm>>
      tpu.enqueue_indirect_dma source(%dma_start3A_19 : memref<20480x128xf32, #tpu.memory_space<hbm>>) target(%arg8 : memref<128x128xf32, #tpu.memory_space<vmem>>) offsets(%dma_start3A_16 : memref<128xi32, #tpu.memory_space<vmem>>) semaphore(%arg11 : memref<!tpu.dma_semaphore, #tpu.memory_space<semaphore_mem>>)
      %dma_start3A_20 = arith.constant 1 : i32
      %dma_start3A_21 = arith.constant 0 : i32
      %dma_start3A_22 = tpu.memref_slice %arg6[%dma_start3A_20, %dma_start3A_21] : memref<32x128xi32, #tpu.memory_space<vmem>> -> memref<1x128xi32, #tpu.memory_space<vmem>>
      %dma_start3A_23 = tpu.memref_squeeze %dma_start3A_22 : memref<1x128xi32, #tpu.memory_space<vmem>> -> memref<128xi32, #tpu.memory_space<vmem>>
      %dma_start3A_24 = arith.constant 0 : i32
      %dma_start3A_25 = arith.constant 0 : i32
      %dma_start3A_26 = tpu.memref_slice %arg2[%dma_start3A_24, %dma_start3A_25] : memref<20480x128xf32, #tpu.memory_space<hbm>> -> memref<20480x128xf32, #tpu.memory_space<hbm>>
      tpu.enqueue_indirect_dma source(%dma_start3A_26 : memref<20480x128xf32, #tpu.memory_space<hbm>>) target(%arg9 : memref<128x128xf32, #tpu.memory_space<vmem>>) offsets(%dma_start3A_23 : memref<128xi32, #tpu.memory_space<vmem>>) semaphore(%arg12 : memref<!tpu.dma_semaphore, #tpu.memory_space<semaphore_mem>>)
      %scan3A_27 = arith.constant 0 : i32
      %scan3A_28 = arith.constant 0 : i32
      %scan3A_29 = arith.constant 16 : i32
      %scan3A_30 = arith.addi %scan3A_28, %scan3A_29 : i32
      %scan3A_31 = arith.constant 1 : i32
      scf.for %scan3A_33 = %scan3A_28 to %scan3A_30 step %scan3A_31  : i32 {
        %mul3A_34 = arith.constant 2 : i32
        %mul3A_35 = arith.muli %mul3A_34, %scan3A_33 : i32
        %dma_wait3A = arith.constant 0 : i32
        %dma_wait3A_36 = tpu.memref_slice %arg6[%mul3A_35, %dma_wait3A] : memref<32x128xi32, #tpu.memory_space<vmem>> -> memref<1x128xi32, #tpu.memory_space<vmem>>
        %dma_wait3A_37 = tpu.memref_squeeze %dma_wait3A_36 : memref<1x128xi32, #tpu.memory_space<vmem>> -> memref<128xi32, #tpu.memory_space<vmem>>
        %dma_wait3A_38 = arith.constant 0 : i32
        %dma_wait3A_39 = arith.constant 0 : i32
        %dma_wait3A_40 = tpu.memref_slice %arg2[%dma_wait3A_38, %dma_wait3A_39] : memref<20480x128xf32, #tpu.memory_space<hbm>> -> memref<20480x128xf32, #tpu.memory_space<hbm>>
        tpu.wait_indirect_dma semaphore(%arg11 : memref<!tpu.dma_semaphore, #tpu.memory_space<semaphore_mem>>) src(%dma_wait3A_40 : memref<20480x128xf32, #tpu.memory_space<hbm>>) dst(%arg8 : memref<128x128xf32, #tpu.memory_space<vmem>>)
        "tpu.region"() ({
          %run_scoped3A = tpu.sem_alloc : memref<!tpu.dma_semaphore, #tpu.memory_space<semaphore_mem>>
          %dma_start3A_62 = arith.constant 0 : i32
          %dma_start3A_63 = tpu.memref_slice %arg7[%mul3A_35, %dma_start3A_62] : memref<32x128xi32, #tpu.memory_space<vmem>> -> memref<1x128xi32, #tpu.memory_space<vmem>>
          %dma_start3A_64 = tpu.memref_squeeze %dma_start3A_63 : memref<1x128xi32, #tpu.memory_space<vmem>> -> memref<128xi32, #tpu.memory_space<vmem>>
          %dma_start3A_65 = arith.constant 0 : i32
          %dma_start3A_66 = arith.constant 0 : i32
          %dma_start3A_67 = tpu.memref_slice %arg10[%dma_start3A_65, %dma_start3A_66] : memref<10240x128xf32, #tpu.memory_space<vmem_shared>> -> memref<10240x128xf32, #tpu.memory_space<vmem_shared>>
          tpu.enqueue_indirect_dma source(%arg8 : memref<128x128xf32, #tpu.memory_space<vmem>>) target(%dma_start3A_67 : memref<10240x128xf32, #tpu.memory_space<vmem_shared>>) offsets(%dma_start3A_64 : memref<128xi32, #tpu.memory_space<vmem>>) semaphore(%run_scoped3A : memref<!tpu.dma_semaphore, #tpu.memory_space<semaphore_mem>>) {add = true}
          %dma_wait3A_68 = arith.constant 0 : i32
          %dma_wait3A_69 = tpu.memref_slice %arg7[%mul3A_35, %dma_wait3A_68] : memref<32x128xi32, #tpu.memory_space<vmem>> -> memref<1x128xi32, #tpu.memory_space<vmem>>
          %dma_wait3A_70 = tpu.memref_squeeze %dma_wait3A_69 : memref<1x128xi32, #tpu.memory_space<vmem>> -> memref<128xi32, #tpu.memory_space<vmem>>
          %dma_wait3A_71 = arith.constant 0 : i32
          %dma_wait3A_72 = arith.constant 0 : i32
          %dma_wait3A_73 = tpu.memref_slice %arg10[%dma_wait3A_71, %dma_wait3A_72] : memref<10240x128xf32, #tpu.memory_space<vmem_shared>> -> memref<10240x128xf32, #tpu.memory_space<vmem_shared>>
          tpu.wait_indirect_dma semaphore(%run_scoped3A : memref<!tpu.dma_semaphore, #tpu.memory_space<semaphore_mem>>) src(%arg8 : memref<128x128xf32, #tpu.memory_space<vmem>>) dst(%dma_wait3A_73 : memref<10240x128xf32, #tpu.memory_space<vmem_shared>>)
          tpu.yield
        }) : () -> ()
        %add3A_41 = arith.constant 2 : i32
        %add3A_42 = arith.addi %mul3A_35, %add3A_41 : i32
        %lt3A = arith.constant 32 : i32
        %lt3A_43 = arith.cmpi slt, %add3A_42, %lt3A : i32
        %convert_element_type3A = arith.extui %lt3A_43 : i1 to i32
        %cond3A = arith.constant 0 : i32
        %cond3A_44 = arith.cmpi ne, %convert_element_type3A, %cond3A : i32
        scf.if %cond3A_44 {
          %add3A_62 = arith.constant 2 : i32
          %add3A_63 = arith.addi %mul3A_35, %add3A_62 : i32
          %dma_start3A_64 = arith.constant 0 : i32
          %dma_start3A_65 = tpu.memref_slice %arg6[%add3A_63, %dma_start3A_64] : memref<32x128xi32, #tpu.memory_space<vmem>> -> memref<1x128xi32, #tpu.memory_space<vmem>>
          %dma_start3A_66 = tpu.memref_squeeze %dma_start3A_65 : memref<1x128xi32, #tpu.memory_space<vmem>> -> memref<128xi32, #tpu.memory_space<vmem>>
          %dma_start3A_67 = arith.constant 0 : i32
          %dma_start3A_68 = arith.constant 0 : i32
          %dma_start3A_69 = tpu.memref_slice %arg2[%dma_start3A_67, %dma_start3A_68] : memref<20480x128xf32, #tpu.memory_space<hbm>> -> memref<20480x128xf32, #tpu.memory_space<hbm>>
          tpu.enqueue_indirect_dma source(%dma_start3A_69 : memref<20480x128xf32, #tpu.memory_space<hbm>>) target(%arg8 : memref<128x128xf32, #tpu.memory_space<vmem>>) offsets(%dma_start3A_66 : memref<128xi32, #tpu.memory_space<vmem>>) semaphore(%arg11 : memref<!tpu.dma_semaphore, #tpu.memory_space<semaphore_mem>>)
        } else {
        }
        %add3A_45 = arith.constant 1 : i32
        %add3A_46 = arith.addi %mul3A_35, %add3A_45 : i32
        %dma_wait3A_47 = arith.constant 0 : i32
        %dma_wait3A_48 = tpu.memref_slice %arg6[%add3A_46, %dma_wait3A_47] : memref<32x128xi32, #tpu.memory_space<vmem>> -> memref<1x128xi32, #tpu.memory_space<vmem>>
        %dma_wait3A_49 = tpu.memref_squeeze %dma_wait3A_48 : memref<1x128xi32, #tpu.memory_space<vmem>> -> memref<128xi32, #tpu.memory_space<vmem>>
        %dma_wait3A_50 = arith.constant 0 : i32
        %dma_wait3A_51 = arith.constant 0 : i32
        %dma_wait3A_52 = tpu.memref_slice %arg2[%dma_wait3A_50, %dma_wait3A_51] : memref<20480x128xf32, #tpu.memory_space<hbm>> -> memref<20480x128xf32, #tpu.memory_space<hbm>>
        tpu.wait_indirect_dma semaphore(%arg12 : memref<!tpu.dma_semaphore, #tpu.memory_space<semaphore_mem>>) src(%dma_wait3A_52 : memref<20480x128xf32, #tpu.memory_space<hbm>>) dst(%arg9 : memref<128x128xf32, #tpu.memory_space<vmem>>)
        %add3A_53 = arith.constant 1 : i32
        %add3A_54 = arith.addi %mul3A_35, %add3A_53 : i32
        "tpu.region"() ({
          %run_scoped3A = tpu.sem_alloc : memref<!tpu.dma_semaphore, #tpu.memory_space<semaphore_mem>>
          %dma_start3A_62 = arith.constant 0 : i32
          %dma_start3A_63 = tpu.memref_slice %arg7[%add3A_54, %dma_start3A_62] : memref<32x128xi32, #tpu.memory_space<vmem>> -> memref<1x128xi32, #tpu.memory_space<vmem>>
          %dma_start3A_64 = tpu.memref_squeeze %dma_start3A_63 : memref<1x128xi32, #tpu.memory_space<vmem>> -> memref<128xi32, #tpu.memory_space<vmem>>
          %dma_start3A_65 = arith.constant 0 : i32
          %dma_start3A_66 = arith.constant 0 : i32
          %dma_start3A_67 = tpu.memref_slice %arg10[%dma_start3A_65, %dma_start3A_66] : memref<10240x128xf32, #tpu.memory_space<vmem_shared>> -> memref<10240x128xf32, #tpu.memory_space<vmem_shared>>
          tpu.enqueue_indirect_dma source(%arg9 : memref<128x128xf32, #tpu.memory_space<vmem>>) target(%dma_start3A_67 : memref<10240x128xf32, #tpu.memory_space<vmem_shared>>) offsets(%dma_start3A_64 : memref<128xi32, #tpu.memory_space<vmem>>) semaphore(%run_scoped3A : memref<!tpu.dma_semaphore, #tpu.memory_space<semaphore_mem>>) {add = true}
          %dma_wait3A_68 = arith.constant 0 : i32
          %dma_wait3A_69 = tpu.memref_slice %arg7[%add3A_54, %dma_wait3A_68] : memref<32x128xi32, #tpu.memory_space<vmem>> -> memref<1x128xi32, #tpu.memory_space<vmem>>
          %dma_wait3A_70 = tpu.memref_squeeze %dma_wait3A_69 : memref<1x128xi32, #tpu.memory_space<vmem>> -> memref<128xi32, #tpu.memory_space<vmem>>
          %dma_wait3A_71 = arith.constant 0 : i32
          %dma_wait3A_72 = arith.constant 0 : i32
          %dma_wait3A_73 = tpu.memref_slice %arg10[%dma_wait3A_71, %dma_wait3A_72] : memref<10240x128xf32, #tpu.memory_space<vmem_shared>> -> memref<10240x128xf32, #tpu.memory_space<vmem_shared>>
          tpu.wait_indirect_dma semaphore(%run_scoped3A : memref<!tpu.dma_semaphore, #tpu.memory_space<semaphore_mem>>) src(%arg9 : memref<128x128xf32, #tpu.memory_space<vmem>>) dst(%dma_wait3A_73 : memref<10240x128xf32, #tpu.memory_space<vmem_shared>>)
          tpu.yield
        }) : () -> ()
        %add3A_55 = arith.constant 3 : i32
        %add3A_56 = arith.addi %mul3A_35, %add3A_55 : i32
        %lt3A_57 = arith.constant 32 : i32
        %lt3A_58 = arith.cmpi slt, %add3A_56, %lt3A_57 : i32
        %convert_element_type3A_59 = arith.extui %lt3A_58 : i1 to i32
        %cond3A_60 = arith.constant 0 : i32
        %cond3A_61 = arith.cmpi ne, %convert_element_type3A_59, %cond3A_60 : i32
        scf.if %cond3A_61 {
          %add3A_62 = arith.constant 3 : i32
          %add3A_63 = arith.addi %mul3A_35, %add3A_62 : i32
          %dma_start3A_64 = arith.constant 0 : i32
          %dma_start3A_65 = tpu.memref_slice %arg6[%add3A_63, %dma_start3A_64] : memref<32x128xi32, #tpu.memory_space<vmem>> -> memref<1x128xi32, #tpu.memory_space<vmem>>
          %dma_start3A_66 = tpu.memref_squeeze %dma_start3A_65 : memref<1x128xi32, #tpu.memory_space<vmem>> -> memref<128xi32, #tpu.memory_space<vmem>>
          %dma_start3A_67 = arith.constant 0 : i32
          %dma_start3A_68 = arith.constant 0 : i32
          %dma_start3A_69 = tpu.memref_slice %arg2[%dma_start3A_67, %dma_start3A_68] : memref<20480x128xf32, #tpu.memory_space<hbm>> -> memref<20480x128xf32, #tpu.memory_space<hbm>>
          tpu.enqueue_indirect_dma source(%dma_start3A_69 : memref<20480x128xf32, #tpu.memory_space<hbm>>) target(%arg9 : memref<128x128xf32, #tpu.memory_space<vmem>>) offsets(%dma_start3A_66 : memref<128xi32, #tpu.memory_space<vmem>>) semaphore(%arg12 : memref<!tpu.dma_semaphore, #tpu.memory_space<semaphore_mem>>)
        } else {
        }
      }
      %scan3A_32 = arith.constant 16 : i32
    }
    %scan3A_7 = arith.constant 5 : i32
    %barrier3A_8 = arith.constant 0 : index
    tpu.barrier barrier_id(%barrier3A_8)
    "tpu.region"() ({
      %run_scoped3A = tpu.sem_alloc : memref<!tpu.dma_semaphore, #tpu.memory_space<semaphore_mem>>
      %dma_start3A = arith.constant 0 : i32
      %dma_start3A_9 = tpu.memref_slice %arg5[%arg0, %mul3A_0, %dma_start3A] : memref<2x10240x128xf32, #tpu.memory_space<hbm>> -> memref<1x640x128xf32, #tpu.memory_space<hbm>>
      %dma_start3A_10 = tpu.memref_squeeze %dma_start3A_9 : memref<1x640x128xf32, #tpu.memory_space<hbm>> -> memref<640x128xf32, #tpu.memory_space<hbm>>
      %dma_start3A_11 = arith.constant 0 : i32
      %dma_start3A_12 = tpu.memref_slice %arg10[%mul3A_0, %dma_start3A_11] : memref<10240x128xf32, #tpu.memory_space<vmem_shared>> -> memref<640x128xf32, #tpu.memory_space<vmem_shared>>
      tpu.enqueue_dma source(%dma_start3A_12 : memref<640x128xf32, #tpu.memory_space<vmem_shared>>) target(%dma_start3A_10 : memref<640x128xf32, #tpu.memory_space<hbm>>) target_semaphore(%run_scoped3A : memref<!tpu.dma_semaphore, #tpu.memory_space<semaphore_mem>>)
      %dma_wait3A = arith.constant 0 : i32
      %dma_wait3A_13 = tpu.memref_slice %arg5[%arg0, %mul3A_0, %dma_wait3A] : memref<2x10240x128xf32, #tpu.memory_space<hbm>> -> memref<1x640x128xf32, #tpu.memory_space<hbm>>
      %dma_wait3A_14 = tpu.memref_squeeze %dma_wait3A_13 : memref<1x640x128xf32, #tpu.memory_space<hbm>> -> memref<640x128xf32, #tpu.memory_space<hbm>>
      %dma_wait3A_15 = arith.constant 0 : i32
      %dma_wait3A_16 = tpu.memref_slice %arg10[%mul3A_0, %dma_wait3A_15] : memref<10240x128xf32, #tpu.memory_space<vmem_shared>> -> memref<640x128xf32, #tpu.memory_space<vmem_shared>>
      tpu.wait_dma2 semaphore(%run_scoped3A : memref<!tpu.dma_semaphore, #tpu.memory_space<semaphore_mem>>) src(%dma_wait3A_16 : memref<640x128xf32, #tpu.memory_space<vmem_shared>>) dst(%dma_wait3A_14 : memref<640x128xf32, #tpu.memory_space<hbm>>)
      tpu.yield
    }) : () -> ()
    return
  }
}

#map = affine_map<(d0, d1) -> (0, 0)>
#map1 = affine_map<(d0, d1) -> (0, 0, 0, 0)>
#map2 = affine_map<(d0, d1) -> (0, 0, 0)>
module attributes {stable_mosaic.version = 14 : i64} {
  func.func @mp_kernel(%arg0: i32, %arg1: i32, %arg2: memref<20480x128xf32, #tpu.memory_space<hbm>>, %arg3: memref<2x16x160x128xi32, #tpu.memory_space<hbm>>, %arg4: memref<16x160x128xi32, #tpu.memory_space<hbm>>, %arg5: memref<2x10240x128xf32, #tpu.memory_space<hbm>>, %arg6: memref<32x128xi32, #tpu.memory_space<vmem>>, %arg7: memref<32x128xi32, #tpu.memory_space<vmem>>, %arg8: memref<128x128xf32, #tpu.memory_space<vmem>>, %arg9: memref<128x128xf32, #tpu.memory_space<vmem>>, %arg10: memref<10240x128xf32, #tpu.memory_space<vmem_shared>>, %arg11: memref<!tpu.dma_semaphore, #tpu.memory_space<semaphore_mem>>, %arg12: memref<!tpu.dma_semaphore, #tpu.memory_space<semaphore_mem>>) attributes {dimension_semantics = [#tpu.dimension_semantics<core_parallel>, #tpu.dimension_semantics<subcore_parallel>], iteration_bounds = array<i64: 2, 16>, scalar_prefetch = 0 : i64, scratch_operands = 7 : i64, tpu.core_type = #tpu.core_type<sc_vector_subcore>, window_params = [{transform_indices = #map}, {transform_indices = #map1}, {transform_indices = #map2}, {transform_indices = #map2}]} {
    %mul3A = arith.constant 640 : i32
    %mul3A_0 = arith.muli %arg1, %mul3A : i32
    %mul3A_1 = arith.constant 10240 : i32
    %mul3A_2 = arith.muli %arg0, %mul3A_1 : i32
    %add3A = arith.addi %mul3A_2, %mul3A_0 : i32
    "tpu.region"() ({
      %run_scoped3A = tpu.sem_alloc : memref<!tpu.dma_semaphore, #tpu.memory_space<semaphore_mem>>
      %dma_start3A = arith.constant 0 : i32
      %dma_start3A_9 = tpu.memref_slice %arg10[%mul3A_0, %dma_start3A] : memref<10240x128xf32, #tpu.memory_space<vmem_shared>> -> memref<640x128xf32, #tpu.memory_space<vmem_shared>>
      %dma_start3A_10 = arith.constant 0 : i32
      %dma_start3A_11 = tpu.memref_slice %arg2[%add3A, %dma_start3A_10] : memref<20480x128xf32, #tpu.memory_space<hbm>> -> memref<640x128xf32, #tpu.memory_space<hbm>>
      tpu.enqueue_dma source(%dma_start3A_11 : memref<640x128xf32, #tpu.memory_space<hbm>>) target(%dma_start3A_9 : memref<640x128xf32, #tpu.memory_space<vmem_shared>>) target_semaphore(%run_scoped3A : memref<!tpu.dma_semaphore, #tpu.memory_space<semaphore_mem>>)
      %dma_wait3A = arith.constant 0 : i32
      %dma_wait3A_12 = tpu.memref_slice %arg10[%mul3A_0, %dma_wait3A] : memref<10240x128xf32, #tpu.memory_space<vmem_shared>> -> memref<640x128xf32, #tpu.memory_space<vmem_shared>>
      %dma_wait3A_13 = arith.constant 0 : i32
      %dma_wait3A_14 = tpu.memref_slice %arg2[%add3A, %dma_wait3A_13] : memref<20480x128xf32, #tpu.memory_space<hbm>> -> memref<640x128xf32, #tpu.memory_space<hbm>>
      tpu.wait_dma2 semaphore(%run_scoped3A : memref<!tpu.dma_semaphore, #tpu.memory_space<semaphore_mem>>) src(%dma_wait3A_14 : memref<640x128xf32, #tpu.memory_space<hbm>>) dst(%dma_wait3A_12 : memref<640x128xf32, #tpu.memory_space<vmem_shared>>)
      tpu.yield
    }) : () -> ()
    %barrier3A = arith.constant 0 : index
    tpu.barrier barrier_id(%barrier3A)
    %scan3A = arith.constant 0 : i32
    %scan3A_3 = arith.constant 0 : i32
    %scan3A_4 = arith.constant 5 : i32
    %scan3A_5 = arith.addi %scan3A_3, %scan3A_4 : i32
    %scan3A_6 = arith.constant 1 : i32
    scf.for %scan3A_9 = %scan3A_3 to %scan3A_5 step %scan3A_6  : i32 {
      %mul3A_10 = arith.constant 32 : i32
      %mul3A_11 = arith.muli %scan3A_9, %mul3A_10 : i32
      "tpu.region"() ({
        %run_scoped3A = tpu.sem_alloc : memref<!tpu.dma_semaphore, #tpu.memory_space<semaphore_mem>>
        %dma_start3A_33 = arith.constant 0 : i32
        %dma_start3A_34 = tpu.memref_slice %arg3[%arg0, %arg1, %mul3A_11, %dma_start3A_33] : memref<2x16x160x128xi32, #tpu.memory_space<hbm>> -> memref<1x1x32x128xi32, #tpu.memory_space<hbm>>
        %dma_start3A_35 = tpu.memref_squeeze %dma_start3A_34 : memref<1x1x32x128xi32, #tpu.memory_space<hbm>> -> memref<32x128xi32, #tpu.memory_space<hbm>>
        %dma_start3A_36 = arith.constant 0 : i32
        %dma_start3A_37 = tpu.memref_slice %arg3[%arg0, %arg1, %mul3A_11, %dma_start3A_36] : memref<2x16x160x128xi32, #tpu.memory_space<hbm>> -> memref<1x1x32x128xi32, #tpu.memory_space<hbm>>
        %dma_start3A_38 = tpu.memref_squeeze %dma_start3A_37 : memref<1x1x32x128xi32, #tpu.memory_space<hbm>> -> memref<32x128xi32, #tpu.memory_space<hbm>>
        tpu.enqueue_dma source(%dma_start3A_38 : memref<32x128xi32, #tpu.memory_space<hbm>>) target(%arg6 : memref<32x128xi32, #tpu.memory_space<vmem>>) target_semaphore(%run_scoped3A : memref<!tpu.dma_semaphore, #tpu.memory_space<semaphore_mem>>)
        %dma_wait3A = arith.constant 0 : i32
        %dma_wait3A_39 = tpu.memref_slice %arg3[%arg0, %arg1, %mul3A_11, %dma_wait3A] : memref<2x16x160x128xi32, #tpu.memory_space<hbm>> -> memref<1x1x32x128xi32, #tpu.memory_space<hbm>>
        %dma_wait3A_40 = tpu.memref_squeeze %dma_wait3A_39 : memref<1x1x32x128xi32, #tpu.memory_space<hbm>> -> memref<32x128xi32, #tpu.memory_space<hbm>>
        %dma_wait3A_41 = arith.constant 0 : i32
        %dma_wait3A_42 = tpu.memref_slice %arg3[%arg0, %arg1, %mul3A_11, %dma_wait3A_41] : memref<2x16x160x128xi32, #tpu.memory_space<hbm>> -> memref<1x1x32x128xi32, #tpu.memory_space<hbm>>
        %dma_wait3A_43 = tpu.memref_squeeze %dma_wait3A_42 : memref<1x1x32x128xi32, #tpu.memory_space<hbm>> -> memref<32x128xi32, #tpu.memory_space<hbm>>
        tpu.wait_dma2 semaphore(%run_scoped3A : memref<!tpu.dma_semaphore, #tpu.memory_space<semaphore_mem>>) src(%dma_wait3A_43 : memref<32x128xi32, #tpu.memory_space<hbm>>) dst(%arg6 : memref<32x128xi32, #tpu.memory_space<vmem>>)
        tpu.yield
      }) : () -> ()
      %mul3A_12 = arith.constant 32 : i32
      %mul3A_13 = arith.muli %scan3A_9, %mul3A_12 : i32
      "tpu.region"() ({
        %run_scoped3A = tpu.sem_alloc : memref<!tpu.dma_semaphore, #tpu.memory_space<semaphore_mem>>
        %dma_start3A_33 = arith.constant 0 : i32
        %dma_start3A_34 = tpu.memref_slice %arg4[%arg1, %mul3A_13, %dma_start3A_33] : memref<16x160x128xi32, #tpu.memory_space<hbm>> -> memref<1x32x128xi32, #tpu.memory_space<hbm>>
        %dma_start3A_35 = tpu.memref_squeeze %dma_start3A_34 : memref<1x32x128xi32, #tpu.memory_space<hbm>> -> memref<32x128xi32, #tpu.memory_space<hbm>>
        %dma_start3A_36 = arith.constant 0 : i32
        %dma_start3A_37 = tpu.memref_slice %arg4[%arg1, %mul3A_13, %dma_start3A_36] : memref<16x160x128xi32, #tpu.memory_space<hbm>> -> memref<1x32x128xi32, #tpu.memory_space<hbm>>
        %dma_start3A_38 = tpu.memref_squeeze %dma_start3A_37 : memref<1x32x128xi32, #tpu.memory_space<hbm>> -> memref<32x128xi32, #tpu.memory_space<hbm>>
        tpu.enqueue_dma source(%dma_start3A_38 : memref<32x128xi32, #tpu.memory_space<hbm>>) target(%arg7 : memref<32x128xi32, #tpu.memory_space<vmem>>) target_semaphore(%run_scoped3A : memref<!tpu.dma_semaphore, #tpu.memory_space<semaphore_mem>>)
        %dma_wait3A = arith.constant 0 : i32
        %dma_wait3A_39 = tpu.memref_slice %arg4[%arg1, %mul3A_13, %dma_wait3A] : memref<16x160x128xi32, #tpu.memory_space<hbm>> -> memref<1x32x128xi32, #tpu.memory_space<hbm>>
        %dma_wait3A_40 = tpu.memref_squeeze %dma_wait3A_39 : memref<1x32x128xi32, #tpu.memory_space<hbm>> -> memref<32x128xi32, #tpu.memory_space<hbm>>
        %dma_wait3A_41 = arith.constant 0 : i32
        %dma_wait3A_42 = tpu.memref_slice %arg4[%arg1, %mul3A_13, %dma_wait3A_41] : memref<16x160x128xi32, #tpu.memory_space<hbm>> -> memref<1x32x128xi32, #tpu.memory_space<hbm>>
        %dma_wait3A_43 = tpu.memref_squeeze %dma_wait3A_42 : memref<1x32x128xi32, #tpu.memory_space<hbm>> -> memref<32x128xi32, #tpu.memory_space<hbm>>
        tpu.wait_dma2 semaphore(%run_scoped3A : memref<!tpu.dma_semaphore, #tpu.memory_space<semaphore_mem>>) src(%dma_wait3A_43 : memref<32x128xi32, #tpu.memory_space<hbm>>) dst(%arg7 : memref<32x128xi32, #tpu.memory_space<vmem>>)
        tpu.yield
      }) : () -> ()
      %dma_start3A = arith.constant 0 : i32
      %dma_start3A_14 = arith.constant 0 : i32
      %dma_start3A_15 = tpu.memref_slice %arg6[%dma_start3A, %dma_start3A_14] : memref<32x128xi32, #tpu.memory_space<vmem>> -> memref<1x128xi32, #tpu.memory_space<vmem>>
      %dma_start3A_16 = tpu.memref_squeeze %dma_start3A_15 : memref<1x128xi32, #tpu.memory_space<vmem>> -> memref<128xi32, #tpu.memory_space<vmem>>
      %dma_start3A_17 = arith.constant 0 : i32
      %dma_start3A_18 = arith.constant 0 : i32
      %dma_start3A_19 = tpu.memref_slice %arg2[%dma_start3A_17, %dma_start3A_18] : memref<20480x128xf32, #tpu.memory_space<hbm>> -> memref<20480x128xf32, #tpu.memory_space<hbm>>
      tpu.enqueue_indirect_dma source(%dma_start3A_19 : memref<20480x128xf32, #tpu.memory_space<hbm>>) target(%arg8 : memref<128x128xf32, #tpu.memory_space<vmem>>) offsets(%dma_start3A_16 : memref<128xi32, #tpu.memory_space<vmem>>) semaphore(%arg11 : memref<!tpu.dma_semaphore, #tpu.memory_space<semaphore_mem>>)
      %dma_start3A_20 = arith.constant 1 : i32
      %dma_start3A_21 = arith.constant 0 : i32
      %dma_start3A_22 = tpu.memref_slice %arg6[%dma_start3A_20, %dma_start3A_21] : memref<32x128xi32, #tpu.memory_space<vmem>> -> memref<1x128xi32, #tpu.memory_space<vmem>>
      %dma_start3A_23 = tpu.memref_squeeze %dma_start3A_22 : memref<1x128xi32, #tpu.memory_space<vmem>> -> memref<128xi32, #tpu.memory_space<vmem>>
      %dma_start3A_24 = arith.constant 0 : i32
      %dma_start3A_25 = arith.constant 0 : i32
      %dma_start3A_26 = tpu.memref_slice %arg2[%dma_start3A_24, %dma_start3A_25] : memref<20480x128xf32, #tpu.memory_space<hbm>> -> memref<20480x128xf32, #tpu.memory_space<hbm>>
      tpu.enqueue_indirect_dma source(%dma_start3A_26 : memref<20480x128xf32, #tpu.memory_space<hbm>>) target(%arg9 : memref<128x128xf32, #tpu.memory_space<vmem>>) offsets(%dma_start3A_23 : memref<128xi32, #tpu.memory_space<vmem>>) semaphore(%arg12 : memref<!tpu.dma_semaphore, #tpu.memory_space<semaphore_mem>>)
      %scan3A_27 = arith.constant 0 : i32
      %scan3A_28 = arith.constant 0 : i32
      %scan3A_29 = arith.constant 16 : i32
      %scan3A_30 = arith.addi %scan3A_28, %scan3A_29 : i32
      %scan3A_31 = arith.constant 1 : i32
      scf.for %scan3A_33 = %scan3A_28 to %scan3A_30 step %scan3A_31  : i32 {
        %mul3A_34 = arith.constant 2 : i32
        %mul3A_35 = arith.muli %mul3A_34, %scan3A_33 : i32
        %dma_wait3A = arith.constant 0 : i32
        %dma_wait3A_36 = tpu.memref_slice %arg6[%mul3A_35, %dma_wait3A] : memref<32x128xi32, #tpu.memory_space<vmem>> -> memref<1x128xi32, #tpu.memory_space<vmem>>
        %dma_wait3A_37 = tpu.memref_squeeze %dma_wait3A_36 : memref<1x128xi32, #tpu.memory_space<vmem>> -> memref<128xi32, #tpu.memory_space<vmem>>
        %dma_wait3A_38 = arith.constant 0 : i32
        %dma_wait3A_39 = arith.constant 0 : i32
        %dma_wait3A_40 = tpu.memref_slice %arg2[%dma_wait3A_38, %dma_wait3A_39] : memref<20480x128xf32, #tpu.memory_space<hbm>> -> memref<20480x128xf32, #tpu.memory_space<hbm>>
        tpu.wait_indirect_dma semaphore(%arg11 : memref<!tpu.dma_semaphore, #tpu.memory_space<semaphore_mem>>) src(%dma_wait3A_40 : memref<20480x128xf32, #tpu.memory_space<hbm>>) dst(%arg8 : memref<128x128xf32, #tpu.memory_space<vmem>>)
        "tpu.region"() ({
          %run_scoped3A = tpu.sem_alloc : memref<!tpu.dma_semaphore, #tpu.memory_space<semaphore_mem>>
          %dma_start3A_62 = arith.constant 0 : i32
          %dma_start3A_63 = tpu.memref_slice %arg7[%mul3A_35, %dma_start3A_62] : memref<32x128xi32, #tpu.memory_space<vmem>> -> memref<1x128xi32, #tpu.memory_space<vmem>>
          %dma_start3A_64 = tpu.memref_squeeze %dma_start3A_63 : memref<1x128xi32, #tpu.memory_space<vmem>> -> memref<128xi32, #tpu.memory_space<vmem>>
          %dma_start3A_65 = arith.constant 0 : i32
          %dma_start3A_66 = arith.constant 0 : i32
          %dma_start3A_67 = tpu.memref_slice %arg10[%dma_start3A_65, %dma_start3A_66] : memref<10240x128xf32, #tpu.memory_space<vmem_shared>> -> memref<10240x128xf32, #tpu.memory_space<vmem_shared>>
          tpu.enqueue_indirect_dma source(%arg8 : memref<128x128xf32, #tpu.memory_space<vmem>>) target(%dma_start3A_67 : memref<10240x128xf32, #tpu.memory_space<vmem_shared>>) offsets(%dma_start3A_64 : memref<128xi32, #tpu.memory_space<vmem>>) semaphore(%run_scoped3A : memref<!tpu.dma_semaphore, #tpu.memory_space<semaphore_mem>>) {add = true}
          %dma_wait3A_68 = arith.constant 0 : i32
          %dma_wait3A_69 = tpu.memref_slice %arg7[%mul3A_35, %dma_wait3A_68] : memref<32x128xi32, #tpu.memory_space<vmem>> -> memref<1x128xi32, #tpu.memory_space<vmem>>
          %dma_wait3A_70 = tpu.memref_squeeze %dma_wait3A_69 : memref<1x128xi32, #tpu.memory_space<vmem>> -> memref<128xi32, #tpu.memory_space<vmem>>
          %dma_wait3A_71 = arith.constant 0 : i32
          %dma_wait3A_72 = arith.constant 0 : i32
          %dma_wait3A_73 = tpu.memref_slice %arg10[%dma_wait3A_71, %dma_wait3A_72] : memref<10240x128xf32, #tpu.memory_space<vmem_shared>> -> memref<10240x128xf32, #tpu.memory_space<vmem_shared>>
          tpu.wait_indirect_dma semaphore(%run_scoped3A : memref<!tpu.dma_semaphore, #tpu.memory_space<semaphore_mem>>) src(%arg8 : memref<128x128xf32, #tpu.memory_space<vmem>>) dst(%dma_wait3A_73 : memref<10240x128xf32, #tpu.memory_space<vmem_shared>>)
          tpu.yield
        }) : () -> ()
        %add3A_41 = arith.constant 2 : i32
        %add3A_42 = arith.addi %mul3A_35, %add3A_41 : i32
        %lt3A = arith.constant 32 : i32
        %lt3A_43 = arith.cmpi slt, %add3A_42, %lt3A : i32
        %convert_element_type3A = arith.extui %lt3A_43 : i1 to i32
        %cond3A = arith.constant 0 : i32
        %cond3A_44 = arith.cmpi ne, %convert_element_type3A, %cond3A : i32
        scf.if %cond3A_44 {
          %add3A_62 = arith.constant 2 : i32
          %add3A_63 = arith.addi %mul3A_35, %add3A_62 : i32
          %dma_start3A_64 = arith.constant 0 : i32
          %dma_start3A_65 = tpu.memref_slice %arg6[%add3A_63, %dma_start3A_64] : memref<32x128xi32, #tpu.memory_space<vmem>> -> memref<1x128xi32, #tpu.memory_space<vmem>>
          %dma_start3A_66 = tpu.memref_squeeze %dma_start3A_65 : memref<1x128xi32, #tpu.memory_space<vmem>> -> memref<128xi32, #tpu.memory_space<vmem>>
          %dma_start3A_67 = arith.constant 0 : i32
          %dma_start3A_68 = arith.constant 0 : i32
          %dma_start3A_69 = tpu.memref_slice %arg2[%dma_start3A_67, %dma_start3A_68] : memref<20480x128xf32, #tpu.memory_space<hbm>> -> memref<20480x128xf32, #tpu.memory_space<hbm>>
          tpu.enqueue_indirect_dma source(%dma_start3A_69 : memref<20480x128xf32, #tpu.memory_space<hbm>>) target(%arg8 : memref<128x128xf32, #tpu.memory_space<vmem>>) offsets(%dma_start3A_66 : memref<128xi32, #tpu.memory_space<vmem>>) semaphore(%arg11 : memref<!tpu.dma_semaphore, #tpu.memory_space<semaphore_mem>>)
        } else {
        }
        %add3A_45 = arith.constant 1 : i32
        %add3A_46 = arith.addi %mul3A_35, %add3A_45 : i32
        %dma_wait3A_47 = arith.constant 0 : i32
        %dma_wait3A_48 = tpu.memref_slice %arg6[%add3A_46, %dma_wait3A_47] : memref<32x128xi32, #tpu.memory_space<vmem>> -> memref<1x128xi32, #tpu.memory_space<vmem>>
        %dma_wait3A_49 = tpu.memref_squeeze %dma_wait3A_48 : memref<1x128xi32, #tpu.memory_space<vmem>> -> memref<128xi32, #tpu.memory_space<vmem>>
        %dma_wait3A_50 = arith.constant 0 : i32
        %dma_wait3A_51 = arith.constant 0 : i32
        %dma_wait3A_52 = tpu.memref_slice %arg2[%dma_wait3A_50, %dma_wait3A_51] : memref<20480x128xf32, #tpu.memory_space<hbm>> -> memref<20480x128xf32, #tpu.memory_space<hbm>>
        tpu.wait_indirect_dma semaphore(%arg12 : memref<!tpu.dma_semaphore, #tpu.memory_space<semaphore_mem>>) src(%dma_wait3A_52 : memref<20480x128xf32, #tpu.memory_space<hbm>>) dst(%arg9 : memref<128x128xf32, #tpu.memory_space<vmem>>)
        %add3A_53 = arith.constant 1 : i32
        %add3A_54 = arith.addi %mul3A_35, %add3A_53 : i32
        "tpu.region"() ({
          %run_scoped3A = tpu.sem_alloc : memref<!tpu.dma_semaphore, #tpu.memory_space<semaphore_mem>>
          %dma_start3A_62 = arith.constant 0 : i32
          %dma_start3A_63 = tpu.memref_slice %arg7[%add3A_54, %dma_start3A_62] : memref<32x128xi32, #tpu.memory_space<vmem>> -> memref<1x128xi32, #tpu.memory_space<vmem>>
          %dma_start3A_64 = tpu.memref_squeeze %dma_start3A_63 : memref<1x128xi32, #tpu.memory_space<vmem>> -> memref<128xi32, #tpu.memory_space<vmem>>
          %dma_start3A_65 = arith.constant 0 : i32
          %dma_start3A_66 = arith.constant 0 : i32
          %dma_start3A_67 = tpu.memref_slice %arg10[%dma_start3A_65, %dma_start3A_66] : memref<10240x128xf32, #tpu.memory_space<vmem_shared>> -> memref<10240x128xf32, #tpu.memory_space<vmem_shared>>
          tpu.enqueue_indirect_dma source(%arg9 : memref<128x128xf32, #tpu.memory_space<vmem>>) target(%dma_start3A_67 : memref<10240x128xf32, #tpu.memory_space<vmem_shared>>) offsets(%dma_start3A_64 : memref<128xi32, #tpu.memory_space<vmem>>) semaphore(%run_scoped3A : memref<!tpu.dma_semaphore, #tpu.memory_space<semaphore_mem>>) {add = true}
          %dma_wait3A_68 = arith.constant 0 : i32
          %dma_wait3A_69 = tpu.memref_slice %arg7[%add3A_54, %dma_wait3A_68] : memref<32x128xi32, #tpu.memory_space<vmem>> -> memref<1x128xi32, #tpu.memory_space<vmem>>
          %dma_wait3A_70 = tpu.memref_squeeze %dma_wait3A_69 : memref<1x128xi32, #tpu.memory_space<vmem>> -> memref<128xi32, #tpu.memory_space<vmem>>
          %dma_wait3A_71 = arith.constant 0 : i32
          %dma_wait3A_72 = arith.constant 0 : i32
          %dma_wait3A_73 = tpu.memref_slice %arg10[%dma_wait3A_71, %dma_wait3A_72] : memref<10240x128xf32, #tpu.memory_space<vmem_shared>> -> memref<10240x128xf32, #tpu.memory_space<vmem_shared>>
          tpu.wait_indirect_dma semaphore(%run_scoped3A : memref<!tpu.dma_semaphore, #tpu.memory_space<semaphore_mem>>) src(%arg9 : memref<128x128xf32, #tpu.memory_space<vmem>>) dst(%dma_wait3A_73 : memref<10240x128xf32, #tpu.memory_space<vmem_shared>>)
          tpu.yield
        }) : () -> ()
        %add3A_55 = arith.constant 3 : i32
        %add3A_56 = arith.addi %mul3A_35, %add3A_55 : i32
        %lt3A_57 = arith.constant 32 : i32
        %lt3A_58 = arith.cmpi slt, %add3A_56, %lt3A_57 : i32
        %convert_element_type3A_59 = arith.extui %lt3A_58 : i1 to i32
        %cond3A_60 = arith.constant 0 : i32
        %cond3A_61 = arith.cmpi ne, %convert_element_type3A_59, %cond3A_60 : i32
        scf.if %cond3A_61 {
          %add3A_62 = arith.constant 3 : i32
          %add3A_63 = arith.addi %mul3A_35, %add3A_62 : i32
          %dma_start3A_64 = arith.constant 0 : i32
          %dma_start3A_65 = tpu.memref_slice %arg6[%add3A_63, %dma_start3A_64] : memref<32x128xi32, #tpu.memory_space<vmem>> -> memref<1x128xi32, #tpu.memory_space<vmem>>
          %dma_start3A_66 = tpu.memref_squeeze %dma_start3A_65 : memref<1x128xi32, #tpu.memory_space<vmem>> -> memref<128xi32, #tpu.memory_space<vmem>>
          %dma_start3A_67 = arith.constant 0 : i32
          %dma_start3A_68 = arith.constant 0 : i32
          %dma_start3A_69 = tpu.memref_slice %arg2[%dma_start3A_67, %dma_start3A_68] : memref<20480x128xf32, #tpu.memory_space<hbm>> -> memref<20480x128xf32, #tpu.memory_space<hbm>>
          tpu.enqueue_indirect_dma source(%dma_start3A_69 : memref<20480x128xf32, #tpu.memory_space<hbm>>) target(%arg9 : memref<128x128xf32, #tpu.memory_space<vmem>>) offsets(%dma_start3A_66 : memref<128xi32, #tpu.memory_space<vmem>>) semaphore(%arg12 : memref<!tpu.dma_semaphore, #tpu.memory_space<semaphore_mem>>)
        } else {
        }
      }
      %scan3A_32 = arith.constant 16 : i32
    }
    %scan3A_7 = arith.constant 5 : i32
    %barrier3A_8 = arith.constant 0 : index
    tpu.barrier barrier_id(%barrier3A_8)
    "tpu.region"() ({
      %run_scoped3A = tpu.sem_alloc : memref<!tpu.dma_semaphore, #tpu.memory_space<semaphore_mem>>
      %dma_start3A = arith.constant 0 : i32
      %dma_start3A_9 = tpu.memref_slice %arg5[%arg0, %mul3A_0, %dma_start3A] : memref<2x10240x128xf32, #tpu.memory_space<hbm>> -> memref<1x640x128xf32, #tpu.memory_space<hbm>>
      %dma_start3A_10 = tpu.memref_squeeze %dma_start3A_9 : memref<1x640x128xf32, #tpu.memory_space<hbm>> -> memref<640x128xf32, #tpu.memory_space<hbm>>
      %dma_start3A_11 = arith.constant 0 : i32
      %dma_start3A_12 = tpu.memref_slice %arg10[%mul3A_0, %dma_start3A_11] : memref<10240x128xf32, #tpu.memory_space<vmem_shared>> -> memref<640x128xf32, #tpu.memory_space<vmem_shared>>
      tpu.enqueue_dma source(%dma_start3A_12 : memref<640x128xf32, #tpu.memory_space<vmem_shared>>) target(%dma_start3A_10 : memref<640x128xf32, #tpu.memory_space<hbm>>) target_semaphore(%run_scoped3A : memref<!tpu.dma_semaphore, #tpu.memory_space<semaphore_mem>>)
      %dma_wait3A = arith.constant 0 : i32
      %dma_wait3A_13 = tpu.memref_slice %arg5[%arg0, %mul3A_0, %dma_wait3A] : memref<2x10240x128xf32, #tpu.memory_space<hbm>> -> memref<1x640x128xf32, #tpu.memory_space<hbm>>
      %dma_wait3A_14 = tpu.memref_squeeze %dma_wait3A_13 : memref<1x640x128xf32, #tpu.memory_space<hbm>> -> memref<640x128xf32, #tpu.memory_space<hbm>>
      %dma_wait3A_15 = arith.constant 0 : i32
      %dma_wait3A_16 = tpu.memref_slice %arg10[%mul3A_0, %dma_wait3A_15] : memref<10240x128xf32, #tpu.memory_space<vmem_shared>> -> memref<640x128xf32, #tpu.memory_space<vmem_shared>>
      tpu.wait_dma2 semaphore(%run_scoped3A : memref<!tpu.dma_semaphore, #tpu.memory_space<semaphore_mem>>) src(%dma_wait3A_16 : memref<640x128xf32, #tpu.memory_space<vmem_shared>>) dst(%dma_wait3A_14 : memref<640x128xf32, #tpu.memory_space<hbm>>)
      tpu.yield
    }) : () -> ()
    return
  }
}

module attributes {stable_mosaic.version = 14 : i64} {
  func.func @body(%arg0: i32, %arg1: memref<2x512x16xf32, #tpu.memory_space<vmem>>, %arg2: memref<512x128xf32, #tpu.memory_space<vmem>>, %arg3: memref<128x256xf32, #tpu.memory_space<vmem>>, %arg4: memref<512x128xf32, #tpu.memory_space<vmem>>, %arg5: memref<2x512x128xf32, #tpu.memory_space<vmem>>) attributes {dimension_semantics = [#tpu.dimension_semantics<arbitrary>], iteration_bounds = array<i64: 20>, scalar_prefetch = 0 : i64, scratch_operands = 0 : i64, tpu.core_type = #tpu.core_type<tc>, window_params = [{transform_indices = @transform_0, window_bounds = array<i64: 2, 512, 16>}, {transform_indices = @transform_1, window_bounds = array<i64: 512, 128>}, {pipeline_mode = #tpu.pipeline_mode<synchronous>, transform_indices = @transform_2, window_bounds = array<i64: 128, 256>}, {transform_indices = @transform_3, window_bounds = array<i64: 512, 128>}, {transform_indices = @transform_4, window_bounds = array<i64: 2, 512, 128>}]} {
    %get3A = arith.constant 0 : index
    %get3A_0 = arith.constant 0 : index
    %get3A_1 = arith.constant 0 : index
    %get3A_2 = vector.load %arg1[%get3A, %get3A_0, %get3A_1] : memref<2x512x16xf32, #tpu.memory_space<vmem>>, vector<1x512x16xf32>
    %get3A_3 = vector.shape_cast %get3A_2 : vector<1x512x16xf32> to vector<512x16xf32>
    %get3A_4 = arith.constant 1 : index
    %get3A_5 = arith.constant 0 : index
    %get3A_6 = arith.constant 0 : index
    %get3A_7 = vector.load %arg1[%get3A_4, %get3A_5, %get3A_6] : memref<2x512x16xf32, #tpu.memory_space<vmem>>, vector<1x512x16xf32>
    %get3A_8 = vector.shape_cast %get3A_7 : vector<1x512x16xf32> to vector<512x16xf32>
    %add3A = arith.addf %get3A_3, %get3A_8 : vector<512x16xf32>
    %slice3A = vector.extract_strided_slice %add3A {offsets = [0, 0], sizes = [512, 1], strides = [1, 1]} : vector<512x16xf32> to vector<512x1xf32>
    %sub3A = arith.constant 1.000000e+00 : f32
    %sub3A_9 = vector.broadcast %sub3A : f32 to vector<512x1xf32>
    %sub3A_10 = arith.subf %slice3A, %sub3A_9 : vector<512x1xf32>
    %sqrt3A = math.sqrt %sub3A_10 : vector<512x1xf32>
    %div3A = arith.constant 1.000000e+00 : f32
    %div3A_11 = vector.broadcast %div3A : f32 to vector<512x1xf32>
    %div3A_12 = arith.divf %div3A_11, %sqrt3A : vector<512x1xf32>
    %broadcast_in_dim3A = vector.shape_cast %div3A_12 : vector<512x1xf32> to vector<512x1xf32>
    %broadcast_in_dim3A_13 = vector.broadcast %broadcast_in_dim3A : vector<512x1xf32> to vector<512x128xf32>
    %swap3A = arith.constant 0 : index
    %swap3A_14 = arith.constant 0 : index
    %swap3A_15 = vector.load %arg4[%swap3A, %swap3A_14] : memref<512x128xf32, #tpu.memory_space<vmem>>, vector<512x128xf32>
    tpu.vector_store %arg4[%swap3A, %swap3A_14], %broadcast_in_dim3A_13 {strides = array<i32>} : memref<512x128xf32, #tpu.memory_space<vmem>>, vector<512x128xf32>,
    %get3A_16 = arith.constant 0 : index
    %get3A_17 = arith.constant 0 : index
    %get3A_18 = vector.load %arg2[%get3A_16, %get3A_17] : memref<512x128xf32, #tpu.memory_space<vmem>>, vector<512x128xf32>
    %get3A_19 = arith.constant 0 : index
    %get3A_20 = arith.constant 0 : index
    %get3A_21 = vector.load %arg3[%get3A_19, %get3A_20] : memref<128x256xf32, #tpu.memory_space<vmem>>, vector<128x256xf32>
    %dot_general3A = arith.constant dense<0.000000e+00> : vector<512x256xf32>
    %dot_general3A_22 = tpu.matmul %get3A_18, %get3A_21, %dot_general3A {dimension_numbers = #tpu.dot_dimension_numbers<[1], [0], [0], [1], [0, 0, 1, 1], [], []>, transpose_lhs_hint = false} : vector<512x128xf32>, vector<128x256xf32>, vector<512x256xf32> -> vector<512x256xf32>
    %mul3A = vector.broadcast %div3A_12 : vector<512x1xf32> to vector<512x256xf32>
    %mul3A_23 = arith.mulf %dot_general3A_22, %mul3A : vector<512x256xf32>
    %slice3A_24 = vector.extract_strided_slice %mul3A_23 {offsets = [0, 0], sizes = [512, 128], strides = [1, 1]} : vector<512x256xf32> to vector<512x128xf32>
    %swap3A_25 = arith.constant 0 : index
    %swap3A_26 = arith.constant 0 : index
    %swap3A_27 = arith.constant 0 : index
    %swap3A_28 = vector.load %arg5[%swap3A_25, %swap3A_26, %swap3A_27] : memref<2x512x128xf32, #tpu.memory_space<vmem>>, vector<1x512x128xf32>
    %swap3A_29 = vector.shape_cast %swap3A_28 : vector<1x512x128xf32> to vector<512x128xf32>
    %swap3A_30 = vector.shape_cast %slice3A_24 : vector<512x128xf32> to vector<1x512x128xf32>
    tpu.vector_store %arg5[%swap3A_25, %swap3A_26, %swap3A_27], %swap3A_30 {strides = array<i32>} : memref<2x512x128xf32, #tpu.memory_space<vmem>>, vector<1x512x128xf32>,
    %slice3A_31 = vector.extract_strided_slice %mul3A_23 {offsets = [0, 128], sizes = [512, 128], strides = [1, 1]} : vector<512x256xf32> to vector<512x128xf32>
    %swap3A_32 = arith.constant 1 : index
    %swap3A_33 = arith.constant 0 : index
    %swap3A_34 = arith.constant 0 : index
    %swap3A_35 = vector.load %arg5[%swap3A_32, %swap3A_33, %swap3A_34] : memref<2x512x128xf32, #tpu.memory_space<vmem>>, vector<1x512x128xf32>
    %swap3A_36 = vector.shape_cast %swap3A_35 : vector<1x512x128xf32> to vector<512x128xf32>
    %swap3A_37 = vector.shape_cast %slice3A_31 : vector<512x128xf32> to vector<1x512x128xf32>
    tpu.vector_store %arg5[%swap3A_32, %swap3A_33, %swap3A_34], %swap3A_37 {strides = array<i32>} : memref<2x512x128xf32, #tpu.memory_space<vmem>>, vector<1x512x128xf32>,
    return
  }
  func.func @transform_0(%arg0: i32) -> (i32, i32, i32) {
    %c0_i32 = arith.constant 0 : i32
    %c0_i32_0 = arith.constant 0 : i32
    %c0_i32_1 = arith.constant 0 : i32
    return %c0_i32, %arg0, %c0_i32_0 : i32, i32, i32
  }
  func.func @transform_1(%arg0: i32) -> (i32, i32) {
    %c0_i32 = arith.constant 0 : i32
    %c0_i32_0 = arith.constant 0 : i32
    return %arg0, %c0_i32 : i32, i32
  }
  func.func @transform_2(%arg0: i32) -> (i32, i32) {
    %c0_i32 = arith.constant 0 : i32
    %c0_i32_0 = arith.constant 0 : i32
    %c0_i32_1 = arith.constant 0 : i32
    return %c0_i32, %c0_i32_0 : i32, i32
  }
  func.func @transform_3(%arg0: i32) -> (i32, i32) {
    %c0_i32 = arith.constant 0 : i32
    %c0_i32_0 = arith.constant 0 : i32
    return %arg0, %c0_i32 : i32, i32
  }
  func.func @transform_4(%arg0: i32) -> (i32, i32, i32) {
    %c0_i32 = arith.constant 0 : i32
    %c0_i32_0 = arith.constant 0 : i32
    %c0_i32_1 = arith.constant 0 : i32
    return %c0_i32, %arg0, %c0_i32_0 : i32, i32, i32
  }
}

module attributes {stable_mosaic.version = 14 : i64} {
  func.func @body(%arg0: i32, %arg1: memref<2x512x128xf32, #tpu.memory_space<vmem>>, %arg2: memref<512x128xf32, #tpu.memory_space<vmem>>, %arg3: memref<256x256xf32, #tpu.memory_space<vmem>>, %arg4: memref<1x256xf32, #tpu.memory_space<vmem>>, %arg5: memref<2x512x128xf32, #tpu.memory_space<vmem>>) attributes {dimension_semantics = [#tpu.dimension_semantics<arbitrary>], iteration_bounds = array<i64: 20>, scalar_prefetch = 0 : i64, scratch_operands = 0 : i64, tpu.core_type = #tpu.core_type<tc>, window_params = [{transform_indices = @transform_0, window_bounds = array<i64: 2, 512, 128>}, {transform_indices = @transform_1, window_bounds = array<i64: 512, 128>}, {pipeline_mode = #tpu.pipeline_mode<synchronous>, transform_indices = @transform_2, window_bounds = array<i64: 256, 256>}, {pipeline_mode = #tpu.pipeline_mode<synchronous>, transform_indices = @transform_3, window_bounds = array<i64: 1, 256>}, {transform_indices = @transform_4, window_bounds = array<i64: 2, 512, 128>}]} {
    %get3A = arith.constant 0 : index
    %get3A_0 = arith.constant 0 : index
    %get3A_1 = vector.load %arg2[%get3A, %get3A_0] : memref<512x128xf32, #tpu.memory_space<vmem>>, vector<512x128xf32>
    %slice3A = vector.extract_strided_slice %get3A_1 {offsets = [0, 0], sizes = [512, 1], strides = [1, 1]} : vector<512x128xf32> to vector<512x1xf32>
    %get3A_2 = arith.constant 0 : index
    %get3A_3 = arith.constant 0 : index
    %get3A_4 = arith.constant 0 : index
    %get3A_5 = vector.load %arg1[%get3A_2, %get3A_3, %get3A_4] : memref<2x512x128xf32, #tpu.memory_space<vmem>>, vector<1x512x128xf32>
    %get3A_6 = vector.shape_cast %get3A_5 : vector<1x512x128xf32> to vector<512x128xf32>
    %get3A_7 = arith.constant 1 : index
    %get3A_8 = arith.constant 0 : index
    %get3A_9 = arith.constant 0 : index
    %get3A_10 = vector.load %arg1[%get3A_7, %get3A_8, %get3A_9] : memref<2x512x128xf32, #tpu.memory_space<vmem>>, vector<1x512x128xf32>
    %get3A_11 = vector.shape_cast %get3A_10 : vector<1x512x128xf32> to vector<512x128xf32>
    %concatenate3A = tpu.concatenate %get3A_6, %get3A_11 in 1 : vector<512x128xf32>, vector<512x128xf32> -> vector<512x256xf32>
    %mul3A = vector.broadcast %slice3A : vector<512x1xf32> to vector<512x256xf32>
    %mul3A_12 = arith.mulf %concatenate3A, %mul3A : vector<512x256xf32>
    %get3A_13 = arith.constant 0 : index
    %get3A_14 = arith.constant 0 : index
    %get3A_15 = vector.load %arg4[%get3A_13, %get3A_14] : memref<1x256xf32, #tpu.memory_space<vmem>>, vector<1x256xf32>
    %add3A = vector.broadcast %get3A_15 : vector<1x256xf32> to vector<512x256xf32>
    %add3A_16 = arith.addf %mul3A_12, %add3A : vector<512x256xf32>
    %max3A = arith.constant 0.000000e+00 : f32
    %max3A_17 = vector.broadcast %max3A : f32 to vector<512x256xf32>
    %max3A_18 = arith.maximumf %add3A_16, %max3A_17 : vector<512x256xf32>
    %get3A_19 = arith.constant 0 : index
    %get3A_20 = arith.constant 0 : index
    %get3A_21 = vector.load %arg3[%get3A_19, %get3A_20] : memref<256x256xf32, #tpu.memory_space<vmem>>, vector<256x256xf32>
    %dot_general3A = arith.constant dense<0.000000e+00> : vector<512x256xf32>
    %dot_general3A_22 = tpu.matmul %max3A_18, %get3A_21, %dot_general3A {dimension_numbers = #tpu.dot_dimension_numbers<[1], [0], [0], [1], [0, 0, 1, 1], [], []>, transpose_lhs_hint = false} : vector<512x256xf32>, vector<256x256xf32>, vector<512x256xf32> -> vector<512x256xf32>
    %mul3A_23 = vector.broadcast %slice3A : vector<512x1xf32> to vector<512x256xf32>
    %mul3A_24 = arith.mulf %dot_general3A_22, %mul3A_23 : vector<512x256xf32>
    %slice3A_25 = vector.extract_strided_slice %mul3A_24 {offsets = [0, 0], sizes = [512, 128], strides = [1, 1]} : vector<512x256xf32> to vector<512x128xf32>
    %swap3A = arith.constant 0 : index
    %swap3A_26 = arith.constant 0 : index
    %swap3A_27 = arith.constant 0 : index
    %swap3A_28 = vector.load %arg5[%swap3A, %swap3A_26, %swap3A_27] : memref<2x512x128xf32, #tpu.memory_space<vmem>>, vector<1x512x128xf32>
    %swap3A_29 = vector.shape_cast %swap3A_28 : vector<1x512x128xf32> to vector<512x128xf32>
    %swap3A_30 = vector.shape_cast %slice3A_25 : vector<512x128xf32> to vector<1x512x128xf32>
    tpu.vector_store %arg5[%swap3A, %swap3A_26, %swap3A_27], %swap3A_30 {strides = array<i32>} : memref<2x512x128xf32, #tpu.memory_space<vmem>>, vector<1x512x128xf32>,
    %slice3A_31 = vector.extract_strided_slice %mul3A_24 {offsets = [0, 128], sizes = [512, 128], strides = [1, 1]} : vector<512x256xf32> to vector<512x128xf32>
    %swap3A_32 = arith.constant 1 : index
    %swap3A_33 = arith.constant 0 : index
    %swap3A_34 = arith.constant 0 : index
    %swap3A_35 = vector.load %arg5[%swap3A_32, %swap3A_33, %swap3A_34] : memref<2x512x128xf32, #tpu.memory_space<vmem>>, vector<1x512x128xf32>
    %swap3A_36 = vector.shape_cast %swap3A_35 : vector<1x512x128xf32> to vector<512x128xf32>
    %swap3A_37 = vector.shape_cast %slice3A_31 : vector<512x128xf32> to vector<1x512x128xf32>
    tpu.vector_store %arg5[%swap3A_32, %swap3A_33, %swap3A_34], %swap3A_37 {strides = array<i32>} : memref<2x512x128xf32, #tpu.memory_space<vmem>>, vector<1x512x128xf32>,
    return
  }
  func.func @transform_0(%arg0: i32) -> (i32, i32, i32) {
    %c0_i32 = arith.constant 0 : i32
    %c0_i32_0 = arith.constant 0 : i32
    %c0_i32_1 = arith.constant 0 : i32
    return %c0_i32, %arg0, %c0_i32_0 : i32, i32, i32
  }
  func.func @transform_1(%arg0: i32) -> (i32, i32) {
    %c0_i32 = arith.constant 0 : i32
    %c0_i32_0 = arith.constant 0 : i32
    return %arg0, %c0_i32 : i32, i32
  }
  func.func @transform_2(%arg0: i32) -> (i32, i32) {
    %c0_i32 = arith.constant 0 : i32
    %c0_i32_0 = arith.constant 0 : i32
    %c0_i32_1 = arith.constant 0 : i32
    return %c0_i32, %c0_i32_0 : i32, i32
  }
  func.func @transform_3(%arg0: i32) -> (i32, i32) {
    %c0_i32 = arith.constant 0 : i32
    %c0_i32_0 = arith.constant 0 : i32
    %c0_i32_1 = arith.constant 0 : i32
    return %c0_i32, %c0_i32_0 : i32, i32
  }
  func.func @transform_4(%arg0: i32) -> (i32, i32, i32) {
    %c0_i32 = arith.constant 0 : i32
    %c0_i32_0 = arith.constant 0 : i32
    %c0_i32_1 = arith.constant 0 : i32
    return %c0_i32, %arg0, %c0_i32_0 : i32, i32, i32
  }
}

module attributes {stable_mosaic.version = 14 : i64} {
  func.func @body(%arg0: i32, %arg1: memref<2x512x128xf32, #tpu.memory_space<vmem>>, %arg2: memref<512x128xf32, #tpu.memory_space<vmem>>, %arg3: memref<1x256xf32, #tpu.memory_space<vmem>>, %arg4: memref<1x1x512xi32, #tpu.memory_space<vmem>>, %arg5: memref<256x256xf32, #tpu.memory_space<vmem>>, %arg6: memref<1x256xf32, #tpu.memory_space<vmem>>, %arg7: memref<1x256xf32, #tpu.memory_space<vmem>>, %arg8: memref<1x256xf32, #tpu.memory_space<vmem>>, %arg9: memref<256x2xf32, #tpu.memory_space<vmem>>, %arg10: memref<1x2xf32, #tpu.memory_space<vmem>>, %arg11: memref<64x2xf32, #tpu.memory_space<vmem>>, %arg12: memref<64x256xf32, #tpu.memory_space<vmem>>, %arg13: memref<64x128xf32, #tpu.memory_space<vmem>>) attributes {dimension_semantics = [#tpu.dimension_semantics<arbitrary>], iteration_bounds = array<i64: 20>, scalar_prefetch = 0 : i64, scratch_operands = 2 : i64, tpu.core_type = #tpu.core_type<tc>, window_params = [{transform_indices = @transform_0, window_bounds = array<i64: 2, 512, 128>}, {transform_indices = @transform_1, window_bounds = array<i64: 512, 128>}, {pipeline_mode = #tpu.pipeline_mode<synchronous>, transform_indices = @transform_2, window_bounds = array<i64: 1, 256>}, {transform_indices = @transform_3, window_bounds = array<i64: 1, 1, 512>}, {pipeline_mode = #tpu.pipeline_mode<synchronous>, transform_indices = @transform_4, window_bounds = array<i64: 256, 256>}, {pipeline_mode = #tpu.pipeline_mode<synchronous>, transform_indices = @transform_5, window_bounds = array<i64: 1, 256>}, {pipeline_mode = #tpu.pipeline_mode<synchronous>, transform_indices = @transform_6, window_bounds = array<i64: 1, 256>}, {pipeline_mode = #tpu.pipeline_mode<synchronous>, transform_indices = @transform_7, window_bounds = array<i64: 1, 256>}, {pipeline_mode = #tpu.pipeline_mode<synchronous>, transform_indices = @transform_8, window_bounds = array<i64: 256, 2>}, {pipeline_mode = #tpu.pipeline_mode<synchronous>, transform_indices = @transform_9, window_bounds = array<i64: 1, 2>}, {pipeline_mode = #tpu.pipeline_mode<synchronous>, transform_indices = @transform_10, window_bounds = array<i64: 64, 2>}]} {
    %eq3A = arith.constant 0 : i32
    %eq3A_0 = arith.cmpi eq, %arg0, %eq3A : i32
    %convert_element_type3A = arith.extui %eq3A_0 : i1 to i32
    %cond3A = arith.constant 0 : i32
    %cond3A_1 = arith.cmpi ne, %convert_element_type3A, %cond3A : i32
    scf.if %cond3A_1 {
      %broadcast_in_dim3A_53 = arith.constant 0.000000e+00 : f32
      %broadcast_in_dim3A_54 = vector.broadcast %broadcast_in_dim3A_53 : f32 to vector<64x256xf32>
      %swap3A_55 = arith.constant 0 : index
      %swap3A_56 = arith.constant 0 : index
      %swap3A_57 = vector.load %arg12[%swap3A_55, %swap3A_56] : memref<64x256xf32, #tpu.memory_space<vmem>>, vector<64x256xf32>
      tpu.vector_store %arg12[%swap3A_55, %swap3A_56], %broadcast_in_dim3A_54 {strides = array<i32>} : memref<64x256xf32, #tpu.memory_space<vmem>>, vector<64x256xf32>,
      %broadcast_in_dim3A_58 = arith.constant 0.000000e+00 : f32
      %broadcast_in_dim3A_59 = vector.broadcast %broadcast_in_dim3A_58 : f32 to vector<64x128xf32>
      %swap3A_60 = arith.constant 0 : index
      %swap3A_61 = arith.constant 0 : index
      %swap3A_62 = vector.load %arg13[%swap3A_60, %swap3A_61] : memref<64x128xf32, #tpu.memory_space<vmem>>, vector<64x128xf32>
      tpu.vector_store %arg13[%swap3A_60, %swap3A_61], %broadcast_in_dim3A_59 {strides = array<i32>} : memref<64x128xf32, #tpu.memory_space<vmem>>, vector<64x128xf32>,
    } else {
    }
    %get3A = arith.constant 0 : index
    %get3A_2 = arith.constant 0 : index
    %get3A_3 = vector.load %arg2[%get3A, %get3A_2] : memref<512x128xf32, #tpu.memory_space<vmem>>, vector<512x128xf32>
    %slice3A = vector.extract_strided_slice %get3A_3 {offsets = [0, 0], sizes = [512, 1], strides = [1, 1]} : vector<512x128xf32> to vector<512x1xf32>
    %get3A_4 = arith.constant 0 : index
    %get3A_5 = arith.constant 0 : index
    %get3A_6 = arith.constant 0 : index
    %get3A_7 = vector.load %arg1[%get3A_4, %get3A_5, %get3A_6] : memref<2x512x128xf32, #tpu.memory_space<vmem>>, vector<1x512x128xf32>
    %get3A_8 = vector.shape_cast %get3A_7 : vector<1x512x128xf32> to vector<512x128xf32>
    %get3A_9 = arith.constant 1 : index
    %get3A_10 = arith.constant 0 : index
    %get3A_11 = arith.constant 0 : index
    %get3A_12 = vector.load %arg1[%get3A_9, %get3A_10, %get3A_11] : memref<2x512x128xf32, #tpu.memory_space<vmem>>, vector<1x512x128xf32>
    %get3A_13 = vector.shape_cast %get3A_12 : vector<1x512x128xf32> to vector<512x128xf32>
    %concatenate3A = tpu.concatenate %get3A_8, %get3A_13 in 1 : vector<512x128xf32>, vector<512x128xf32> -> vector<512x256xf32>
    %mul3A = vector.broadcast %slice3A : vector<512x1xf32> to vector<512x256xf32>
    %mul3A_14 = arith.mulf %concatenate3A, %mul3A : vector<512x256xf32>
    %get3A_15 = arith.constant 0 : index
    %get3A_16 = arith.constant 0 : index
    %get3A_17 = vector.load %arg3[%get3A_15, %get3A_16] : memref<1x256xf32, #tpu.memory_space<vmem>>, vector<1x256xf32>
    %add3A = vector.broadcast %get3A_17 : vector<1x256xf32> to vector<512x256xf32>
    %add3A_18 = arith.addf %mul3A_14, %add3A : vector<512x256xf32>
    %max3A = arith.constant 0.000000e+00 : f32
    %max3A_19 = vector.broadcast %max3A : f32 to vector<512x256xf32>
    %max3A_20 = arith.maximumf %add3A_18, %max3A_19 : vector<512x256xf32>
    %get3A_21 = arith.constant 0 : index
    %get3A_22 = arith.constant 0 : index
    %get3A_23 = arith.constant 0 : index
    %get3A_24 = vector.load %arg4[%get3A_21, %get3A_22, %get3A_23] : memref<1x1x512xi32, #tpu.memory_space<vmem>>, vector<1x1x512xi32>
    %get3A_25 = vector.shape_cast %get3A_24 : vector<1x1x512xi32> to vector<512xi32>
    %iota3A = tpu.iota {dimensions = array<i32: 0>} : vector<64x512xi32>
    %broadcast_in_dim3A = vector.shape_cast %get3A_25 : vector<512xi32> to vector<1x512xi32>
    %eq3A_26 = vector.broadcast %broadcast_in_dim3A : vector<1x512xi32> to vector<64x512xi32>
    %eq3A_27 = arith.cmpi eq, %iota3A, %eq3A_26 : vector<64x512xi32>
    %convert_element_type3A_28 = arith.extui %eq3A_27 : vector<64x512xi1> to vector<64x512xi32>
    %convert_element_type3A_29 = arith.sitofp %convert_element_type3A_28 : vector<64x512xi32> to vector<64x512xf32>
    %get3A_30 = arith.constant 0 : index
    %get3A_31 = arith.constant 0 : index
    %get3A_32 = vector.load %arg12[%get3A_30, %get3A_31] : memref<64x256xf32, #tpu.memory_space<vmem>>, vector<64x256xf32>
    %dot_general3A = arith.constant dense<0.000000e+00> : vector<64x256xf32>
    %dot_general3A_33 = tpu.matmul %convert_element_type3A_29, %max3A_20, %dot_general3A {dimension_numbers = #tpu.dot_dimension_numbers<[1], [0], [0], [1], [0, 0, 1, 1], [], []>, precision = #tpu.contract_precision<fp32>, transpose_lhs_hint = false} : vector<64x512xf32>, vector<512x256xf32>, vector<64x256xf32> -> vector<64x256xf32>
    %add3A_34 = arith.addf %get3A_32, %dot_general3A_33 : vector<64x256xf32>
    %swap3A = arith.constant 0 : index
    %swap3A_35 = arith.constant 0 : index
    %swap3A_36 = vector.load %arg12[%swap3A, %swap3A_35] : memref<64x256xf32, #tpu.memory_space<vmem>>, vector<64x256xf32>
    tpu.vector_store %arg12[%swap3A, %swap3A_35], %add3A_34 {strides = array<i32>} : memref<64x256xf32, #tpu.memory_space<vmem>>, vector<64x256xf32>,
    %get3A_37 = arith.constant 0 : index
    %get3A_38 = arith.constant 0 : index
    %get3A_39 = vector.load %arg13[%get3A_37, %get3A_38] : memref<64x128xf32, #tpu.memory_space<vmem>>, vector<64x128xf32>
    %reduce_sum3A = arith.constant dense<0.000000e+00> : vector<64xf32>
    %reduce_sum3A_40 = vector.multi_reduction <add>, %convert_element_type3A_29, %reduce_sum3A [1] : vector<64x512xf32> to vector<64xf32>
    %broadcast_in_dim3A_41 = vector.shape_cast %reduce_sum3A_40 : vector<64xf32> to vector<64x1xf32>
    %broadcast_in_dim3A_42 = vector.shape_cast %broadcast_in_dim3A_41 : vector<64x1xf32> to vector<64x1xf32>
    %broadcast_in_dim3A_43 = vector.broadcast %broadcast_in_dim3A_42 : vector<64x1xf32> to vector<64x128xf32>
    %add3A_44 = arith.addf %get3A_39, %broadcast_in_dim3A_43 : vector<64x128xf32>
    %swap3A_45 = arith.constant 0 : index
    %swap3A_46 = arith.constant 0 : index
    %swap3A_47 = vector.load %arg13[%swap3A_45, %swap3A_46] : memref<64x128xf32, #tpu.memory_space<vmem>>, vector<64x128xf32>
    tpu.vector_store %arg13[%swap3A_45, %swap3A_46], %add3A_44 {strides = array<i32>} : memref<64x128xf32, #tpu.memory_space<vmem>>, vector<64x128xf32>,
    %eq3A_48 = arith.constant 19 : i32
    %eq3A_49 = arith.cmpi eq, %arg0, %eq3A_48 : i32
    %convert_element_type3A_50 = arith.extui %eq3A_49 : i1 to i32
    %cond3A_51 = arith.constant 0 : i32
    %cond3A_52 = arith.cmpi ne, %convert_element_type3A_50, %cond3A_51 : i32
    scf.if %cond3A_52 {
      %get3A_53 = arith.constant 0 : index
      %get3A_54 = arith.constant 0 : index
      %get3A_55 = vector.load %arg12[%get3A_53, %get3A_54] : memref<64x256xf32, #tpu.memory_space<vmem>>, vector<64x256xf32>
      %get3A_56 = arith.constant 0 : index
      %get3A_57 = arith.constant 0 : index
      %get3A_58 = vector.load %arg13[%get3A_56, %get3A_57] : memref<64x128xf32, #tpu.memory_space<vmem>>, vector<64x128xf32>
      %slice3A_59 = vector.extract_strided_slice %get3A_58 {offsets = [0, 0], sizes = [64, 1], strides = [1, 1]} : vector<64x128xf32> to vector<64x1xf32>
      %max3A_60 = arith.constant 1.000000e+00 : f32
      %max3A_61 = vector.broadcast %max3A_60 : f32 to vector<64x1xf32>
      %max3A_62 = arith.maximumf %slice3A_59, %max3A_61 : vector<64x1xf32>
      %div3A = vector.broadcast %max3A_62 : vector<64x1xf32> to vector<64x256xf32>
      %div3A_63 = arith.divf %get3A_55, %div3A : vector<64x256xf32>
      %get3A_64 = arith.constant 0 : index
      %get3A_65 = arith.constant 0 : index
      %get3A_66 = vector.load %arg5[%get3A_64, %get3A_65] : memref<256x256xf32, #tpu.memory_space<vmem>>, vector<256x256xf32>
      %dot_general3A_67 = arith.constant dense<0.000000e+00> : vector<64x256xf32>
      %dot_general3A_68 = tpu.matmul %div3A_63, %get3A_66, %dot_general3A_67 {dimension_numbers = #tpu.dot_dimension_numbers<[1], [0], [0], [1], [0, 0, 1, 1], [], []>, transpose_lhs_hint = false} : vector<64x256xf32>, vector<256x256xf32>, vector<64x256xf32> -> vector<64x256xf32>
      %get3A_69 = arith.constant 0 : index
      %get3A_70 = arith.constant 0 : index
      %get3A_71 = vector.load %arg6[%get3A_69, %get3A_70] : memref<1x256xf32, #tpu.memory_space<vmem>>, vector<1x256xf32>
      %add3A_72 = vector.broadcast %get3A_71 : vector<1x256xf32> to vector<64x256xf32>
      %add3A_73 = arith.addf %dot_general3A_68, %add3A_72 : vector<64x256xf32>
      %reduce_sum3A_74 = arith.constant dense<0.000000e+00> : vector<256xf32>
      %reduce_sum3A_75 = vector.multi_reduction <add>, %add3A_73, %reduce_sum3A_74 [0] : vector<64x256xf32> to vector<256xf32>
      %broadcast_in_dim3A_76 = vector.shape_cast %reduce_sum3A_75 : vector<256xf32> to vector<1x256xf32>
      %div3A_77 = arith.constant 6.400000e+01 : f32
      %div3A_78 = vector.broadcast %div3A_77 : f32 to vector<1x256xf32>
      %div3A_79 = arith.divf %broadcast_in_dim3A_76, %div3A_78 : vector<1x256xf32>
      %sub3A = vector.broadcast %div3A_79 : vector<1x256xf32> to vector<64x256xf32>
      %sub3A_80 = arith.subf %add3A_73, %sub3A : vector<64x256xf32>
      %integer_pow3A = arith.mulf %sub3A_80, %sub3A_80 : vector<64x256xf32>
      %reduce_sum3A_81 = arith.constant dense<0.000000e+00> : vector<256xf32>
      %reduce_sum3A_82 = vector.multi_reduction <add>, %integer_pow3A, %reduce_sum3A_81 [0] : vector<64x256xf32> to vector<256xf32>
      %broadcast_in_dim3A_83 = vector.shape_cast %reduce_sum3A_82 : vector<256xf32> to vector<1x256xf32>
      %div3A_84 = arith.constant 6.400000e+01 : f32
      %div3A_85 = vector.broadcast %div3A_84 : f32 to vector<1x256xf32>
      %div3A_86 = arith.divf %broadcast_in_dim3A_83, %div3A_85 : vector<1x256xf32>
      %sub3A_87 = vector.broadcast %div3A_79 : vector<1x256xf32> to vector<64x256xf32>
      %sub3A_88 = arith.subf %add3A_73, %sub3A_87 : vector<64x256xf32>
      %add3A_89 = arith.constant 9.99999974E-6 : f32
      %add3A_90 = vector.broadcast %add3A_89 : f32 to vector<1x256xf32>
      %add3A_91 = arith.addf %div3A_86, %add3A_90 : vector<1x256xf32>
      %sqrt3A = math.sqrt %add3A_91 : vector<1x256xf32>
      %div3A_92 = vector.broadcast %sqrt3A : vector<1x256xf32> to vector<64x256xf32>
      %div3A_93 = arith.divf %sub3A_88, %div3A_92 : vector<64x256xf32>
      %get3A_94 = arith.constant 0 : index
      %get3A_95 = arith.constant 0 : index
      %get3A_96 = vector.load %arg7[%get3A_94, %get3A_95] : memref<1x256xf32, #tpu.memory_space<vmem>>, vector<1x256xf32>
      %mul3A_97 = vector.broadcast %get3A_96 : vector<1x256xf32> to vector<64x256xf32>
      %mul3A_98 = arith.mulf %div3A_93, %mul3A_97 : vector<64x256xf32>
      %get3A_99 = arith.constant 0 : index
      %get3A_100 = arith.constant 0 : index
      %get3A_101 = vector.load %arg8[%get3A_99, %get3A_100] : memref<1x256xf32, #tpu.memory_space<vmem>>, vector<1x256xf32>
      %add3A_102 = vector.broadcast %get3A_101 : vector<1x256xf32> to vector<64x256xf32>
      %add3A_103 = arith.addf %mul3A_98, %add3A_102 : vector<64x256xf32>
      %max3A_104 = arith.constant 0.000000e+00 : f32
      %max3A_105 = vector.broadcast %max3A_104 : f32 to vector<64x256xf32>
      %max3A_106 = arith.maximumf %add3A_103, %max3A_105 : vector<64x256xf32>
      %get3A_107 = arith.constant 0 : index
      %get3A_108 = arith.constant 0 : index
      %get3A_109 = vector.load %arg9[%get3A_107, %get3A_108] : memref<256x2xf32, #tpu.memory_space<vmem>>, vector<256x2xf32>
      %dot_general3A_110 = arith.constant dense<0.000000e+00> : vector<64x2xf32>
      %dot_general3A_111 = tpu.matmul %max3A_106, %get3A_109, %dot_general3A_110 {dimension_numbers = #tpu.dot_dimension_numbers<[1], [0], [0], [1], [0, 0, 1, 1], [], []>, transpose_lhs_hint = false} : vector<64x256xf32>, vector<256x2xf32>, vector<64x2xf32> -> vector<64x2xf32>
      %get3A_112 = arith.constant 0 : index
      %get3A_113 = arith.constant 0 : index
      %get3A_114 = vector.load %arg10[%get3A_112, %get3A_113] : memref<1x2xf32, #tpu.memory_space<vmem>>, vector<1x2xf32>
      %add3A_115 = vector.broadcast %get3A_114 : vector<1x2xf32> to vector<64x2xf32>
      %add3A_116 = arith.addf %dot_general3A_111, %add3A_115 : vector<64x2xf32>
      %swap3A_117 = arith.constant 0 : index
      %swap3A_118 = arith.constant 0 : index
      %swap3A_119 = vector.load %arg11[%swap3A_117, %swap3A_118] : memref<64x2xf32, #tpu.memory_space<vmem>>, vector<64x2xf32>
      tpu.vector_store %arg11[%swap3A_117, %swap3A_118], %add3A_116 {strides = array<i32>} : memref<64x2xf32, #tpu.memory_space<vmem>>, vector<64x2xf32>,
    } else {
    }
    return
  }
  func.func @transform_0(%arg0: i32) -> (i32, i32, i32) {
    %c0_i32 = arith.constant 0 : i32
    %c0_i32_0 = arith.constant 0 : i32
    %c0_i32_1 = arith.constant 0 : i32
    return %c0_i32, %arg0, %c0_i32_0 : i32, i32, i32
  }
  func.func @transform_1(%arg0: i32) -> (i32, i32) {
    %c0_i32 = arith.constant 0 : i32
    %c0_i32_0 = arith.constant 0 : i32
    return %arg0, %c0_i32 : i32, i32
  }
  func.func @transform_2(%arg0: i32) -> (i32, i32) {
    %c0_i32 = arith.constant 0 : i32
    %c0_i32_0 = arith.constant 0 : i32
    %c0_i32_1 = arith.constant 0 : i32
    return %c0_i32, %c0_i32_0 : i32, i32
  }
  func.func @transform_3(%arg0: i32) -> (i32, i32, i32) {
    %c0_i32 = arith.constant 0 : i32
    %c0_i32_0 = arith.constant 0 : i32
    %c0_i32_1 = arith.constant 0 : i32
    return %arg0, %c0_i32, %c0_i32_0 : i32, i32, i32
  }
  func.func @transform_4(%arg0: i32) -> (i32, i32) {
    %c0_i32 = arith.constant 0 : i32
    %c0_i32_0 = arith.constant 0 : i32
    %c0_i32_1 = arith.constant 0 : i32
    return %c0_i32, %c0_i32_0 : i32, i32
  }
  func.func @transform_5(%arg0: i32) -> (i32, i32) {
    %c0_i32 = arith.constant 0 : i32
    %c0_i32_0 = arith.constant 0 : i32
    %c0_i32_1 = arith.constant 0 : i32
    return %c0_i32, %c0_i32_0 : i32, i32
  }
  func.func @transform_6(%arg0: i32) -> (i32, i32) {
    %c0_i32 = arith.constant 0 : i32
    %c0_i32_0 = arith.constant 0 : i32
    %c0_i32_1 = arith.constant 0 : i32
    return %c0_i32, %c0_i32_0 : i32, i32
  }
  func.func @transform_7(%arg0: i32) -> (i32, i32) {
    %c0_i32 = arith.constant 0 : i32
    %c0_i32_0 = arith.constant 0 : i32
    %c0_i32_1 = arith.constant 0 : i32
    return %c0_i32, %c0_i32_0 : i32, i32
  }
  func.func @transform_8(%arg0: i32) -> (i32, i32) {
    %c0_i32 = arith.constant 0 : i32
    %c0_i32_0 = arith.constant 0 : i32
    %c0_i32_1 = arith.constant 0 : i32
    return %c0_i32, %c0_i32_0 : i32, i32
  }
  func.func @transform_9(%arg0: i32) -> (i32, i32) {
    %c0_i32 = arith.constant 0 : i32
    %c0_i32_0 = arith.constant 0 : i32
    %c0_i32_1 = arith.constant 0 : i32
    return %c0_i32, %c0_i32_0 : i32, i32
  }
  func.func @transform_10(%arg0: i32) -> (i32, i32) {
    %c0_i32 = arith.constant 0 : i32
    %c0_i32_0 = arith.constant 0 : i32
    %c0_i32_1 = arith.constant 0 : i32
    return %c0_i32, %c0_i32_0 : i32, i32
  }
}

</mosaic_0001>

<sc_bundles>
// kernel: kernel.11.cloned.1.call-start
scs
__scs_entry_jumppad:
0x0: {  	(pc) =	sbr.rel $0x88, $3  }
0x1: {  	(tag) =	ssettag $0x0;
	lr =	simm.s32 $0x1  }
0x2: {  	[smem:$0x3F94] =	sst lr;
	_ =	strace $0xD0000000  }
0x3: {  	_ = 	snop  }
0x4: {  	_ = 	snop  }
0x5: {  	_ = 	snop  }
0x6: {  	_ = 	snop  }
0x7: {  	_ = 	snop  }
__scs_overlays_trampoline_lowered:
0x8: {  	[smem:$0x3FA3] =	sst s0  }
0x9: {  	[smem:$0x3FA4] =	sst s1  }
0xa: {  	[smem:$0x3FA5] =	sst s2  }
0xb: {  	[smem:$0x3FA6] =	sst s3  }
0xc: {  	[smem:$0x3FA7] =	sst s4  }
0xd: {  	[smem:$0x3FA8] =	sst s5  }
0xe: {  	[smem:$0x3FA9] =	sst s6  }
0xf: {  	[smem:$0x3FAA] =	sst s7  }
0x10: {  	[smem:$0x3FAB] =	sst s8  }
0x11: {  	[smem:$0x3FAC] =	sst s9;
	s0 =	simm.s32 @!p0 $0x0  }
0x12: {  	s1 =	sld [smem:$0x3F92];
	s0 =	simm.s32 @p0 $0x1  }
0x13: {  	[smem:$0x3FAD] =	sst s0;
	s0 =	simm.s32 @!p1 $0x0  }
0x14: {  	s2 =	sld [smem:$0x3F91];
	s0 =	simm.s32 @p1 $0x1  }
0x15: {  	[smem:$0x3FAE] =	sst s0;
	s0 =	simm.s32 @!p2 $0x0  }
0x16: {  	s3 =	sld [smem:$0x3FDB];
	s0 =	simm.s32 @p2 $0x1  }
0x17: {  	s4 =	simm.s32 $0x1BF5;
	[smem:$0x3FB0] =	sst s0  }
0x18: {  	s0 =	sld [smem:$0x3F93];
	_ =	swait.ge [sflag:s4], $0x0  }
0x19: {  	s7 =	sld [smem:$0x3F94]  }
0x1a: {  	s8 =	sadd.s32 $0xFFFFE003, lr  }
0x1b: {  	s9 =	sadd.s32 $0xFFFFFEF7, lr;
	s5 =	simm.s32 $0xFFFFFFFF;
	p2 =	slt.u32 s8, $0xFFFFF086  }
0x1c: {  	p1 =	slt.u32 s9, $0xF7A;
	s5 =	simm.s32 @!p2 $0x0  }
0x1d: {  	s5 =	simm.s32 @p1 $0x1;
	p0 =	seq.s32 s7, s2  }
0x1e: {  	s7 =	smul.u32 @!p0 $0xF7A, s2;
	p2 =	seq.s32 @!p0 s5, $0x0  }
0x1f: {  	s9 =	smul.u32 $0xF7A, s1;
	s8 =	simm.s32 @!p0 $0x1BF5;
	p2 =	por !p2, p0  }
0x20: {  	[sflag:s8] =	ssyncset.s32 @!p0 $0xFFFFF086;
	s6 =	sadd.s32 @!p0 s3, s7;
	s7 =	simm.s32 @!p0 $0x108  }
0x21: {  	s3 =	sadd.s32 s3, s9;
	s6 =	sadd.s32 @!p0 $0x88, s6;
	s7 =	simm.s32 @p2 $0x1082  }
0x22: {  	[simem:s7], [sflag:s8] =	dma.local @!p0 [hbm:s6], $0xF7A  }
0x23: {  	s9 =	sor.u32 $0xD0000000, s2;
	s6 =	simm.s32 $0x108;
	_ =	swait.ge @!p0 [sflag:s8], $0x0  }
0x24: {  	s3 =	sadd.s32 $0x88, s3;
	s6 =	simm.s32 @!p1 $0x1082;
	[sflag:s4] =	ssyncset.s32 $0xFFFFF086  }
0x25: {  	[simem:s6], [sflag:s4] =	dma.local [hbm:s3], $0xF7A  }
0x26: {  	[smem:$0x3F94] =	sst s1;
	(tag) =	ssettag s2;
	_ =	strace s9  }
0x27: {  	s1 =	sld [smem:$0x3FA4]  }
0x28: {  	s2 =	sld [smem:$0x3FA5]  }
0x29: {  	s4 =	sld [smem:$0x3FA7]  }
0x2a: {  	p0 =	seq.s32 s5, $0x0;
	s5 =	sld [smem:$0x3FA8]  }
0x2b: {  	s6 =	sld [smem:$0x3FA9]  }
0x2c: {  	s7 =	sld [smem:$0x3FAA]  }
0x2d: {  	s3 =	simm.s32 $0x108;
	s8 =	sld [smem:$0x3FAB]  }
0x2e: {  	s3 =	simm.s32 @!p0 $0x1082;
	s9 =	sld [smem:$0x3FAC]  }
0x2f: {  	lr =	sadd.s32 s0, s3;
	s0 =	sld [smem:$0x3FA3]  }
0x30: {  	s3 =	sld [smem:$0x3FA6]  }
0x31: {  	[smem:$0x3FAF] =	sst s10  }
0x32: {  	s10 =	sld [smem:$0x3FAD];
	_ =	sdelay $0x3  }
0x33: {  	p0 =	seq.s32 s10, $0x1;
	s10 =	sld [smem:$0x3FAF];
	_ =	sdelay $0x3  }
0x34: {  	[smem:$0x3FAF] =	sst s10  }
0x35: {  	s10 =	sld [smem:$0x3FAE];
	_ =	sdelay $0x3  }
0x36: {  	p1 =	seq.s32 s10, $0x1;
	s10 =	sld [smem:$0x3FAF];
	_ =	sdelay $0x3  }
0x37: {  	[smem:$0x3FAF] =	sst s10  }
0x38: {  	s10 =	sld [smem:$0x3FB0]  }
0x39: {  	_ = 	snop;
	(pc) =	sbr.ind lr, $3  }
0x3a: {  	_ = 	snop  }
0x3b: {  	_ = 	snop  }
0x3c: {  	p2 =	seq.s32 s10, $0x1;
	s10 =	sld [smem:$0x3FAF]  }
0x3d: {  	_ =	shalt  }
0x3e: {  	_ =	shalt  }
0x3f: {  	_ =	shalt  }
0x40: {  	_ =	shalt  }
0x41: {  	_ =	shalt  }
0x42: {  	_ =	shalt  }
0x43: {  	_ =	shalt  }
0x44: {  	_ =	shalt  }
0x45: {  	_ =	shalt  }
0x46: {  	_ =	shalt  }
0x47: {  	_ =	shalt  }
0x48: {  	_ =	shalt  }
0x49: {  	_ =	shalt  }
0x4a: {  	_ =	shalt  }
0x4b: {  	_ =	shalt  }
0x4c: {  	_ =	shalt  }
0x4d: {  	_ =	shalt  }
0x4e: {  	_ =	shalt  }
0x4f: {  	_ =	shalt  }
0x50: {  	_ =	shalt  }
0x51: {  	_ =	shalt  }
0x52: {  	_ =	shalt  }
0x53: {  	_ =	shalt  }
0x54: {  	_ =	shalt  }
0x55: {  	_ =	shalt  }
0x56: {  	_ =	shalt  }
0x57: {  	_ =	shalt  }
0x58: {  	_ =	shalt  }
0x59: {  	_ =	shalt  }
0x5a: {  	_ =	shalt  }
0x5b: {  	_ =	shalt  }
0x5c: {  	_ =	shalt  }
0x5d: {  	_ =	shalt  }
0x5e: {  	_ =	shalt  }
0x5f: {  	_ =	shalt  }
0x60: {  	_ =	shalt  }
0x61: {  	_ =	shalt  }
0x62: {  	_ =	shalt  }
0x63: {  	_ =	shalt  }
0x64: {  	_ =	shalt  }
0x65: {  	_ =	shalt  }
0x66: {  	_ =	shalt  }
0x67: {  	_ =	shalt  }
0x68: {  	_ =	shalt  }
0x69: {  	_ =	shalt  }
0x6a: {  	_ =	shalt  }
0x6b: {  	_ =	shalt  }
0x6c: {  	_ =	shalt  }
0x6d: {  	_ =	shalt  }
0x6e: {  	_ =	shalt  }
0x6f: {  	_ =	shalt  }
0x70: {  	_ =	shalt  }
0x71: {  	_ =	shalt  }
0x72: {  	_ =	shalt  }
0x73: {  	_ =	shalt  }
0x74: {  	_ =	shalt  }
0x75: {  	_ =	shalt  }
0x76: {  	_ =	shalt  }
0x77: {  	_ =	shalt  }
0x78: {  	_ =	shalt  }
0x79: {  	_ =	shalt  }
0x7a: {  	_ =	shalt  }
0x7b: {  	_ =	shalt  }
0x7c: {  	_ =	shalt  }
0x7d: {  	_ =	shalt  }
0x7e: {  	_ =	shalt  }
0x7f: {  	_ =	shalt  }
0x80: {  	_ =	shalt  }
0x81: {  	_ =	shalt  }
0x82: {  	_ =	shalt  }
0x83: {  	_ =	shalt  }
0x84: {  	_ =	shalt  }
0x85: {  	_ =	shalt  }
0x86: {  	_ =	shalt  }
0x87: {  	_ =	shalt  }
.Lfunc_end0:
.L_simem_size_0:
called_computation.1_lowered:
.L_overlay_start_0:
0x88: {  	s2 =	sld [smem:$0x3FD9]  }
0x89: {  	s3 =	sld [smem:$0x3FFE];
	_ =	sdelay $0x1  }
0x8a: {  	s1 =	srdreg.scid  }
0x8b: {  	s0 =	sand.u32 $0x1, s1  }
0x8c: {  	s16 =	sshll.u32 s0, $0xA;
	s2 =	sadd.s32 s3, s2  }
0x8d: {  	s2 =	sadd.s32 s2, s16  }
0x8e: {  	[smem:$0x3FBB] =	sst s2  }
0x8f: {  	_ = 	snop  }
0x90: {  	(tm) =	ssettm $0x1  }
0x91: {  	s17 =	sld [smem:$0x3FFB];
	_ =	sdelay $0x3  }
0x92: {  	_ =	strace s17  }
0x93: {  	s2 =	sld [smem:$0x3FFC];
	_ =	sdelay $0x3  }
0x94: {  	_ =	strace s2  }
0x95: {  	s2 =	sld [smem:$0x3FFD];
	_ =	sdelay $0x3  }
0x96: {  	_ =	strace s2  }
0x97: {  	_ =	strace $0x8FFFFFFF  }
0x98: {  	s18 =	sld [smem:$0x3FDB];
	_ =	sdelay $0x1  }
0x99: {  	s19 =	simm.s32 $_scs_section_size  }
0x9a: {  	s4 =	simm.s32 $_size__tile_overlayer_lowered;
	s5 =	simm.s32 $_tile_overlayer_lowered  }
0x9b: {  	s22 =	simm.s32 $0x1BFF;
	s21 =	sshll.u32 s5, $0x1;
	s2 =	sadd.s32 s19, s18  }
0x9c: {  	s6 =	simm.s32 $0x0;
	s20 =	sshll.u32 s4, $0x1;
	s4 =	sadd.s32 s21, s2  }
0x9d: {  	[timem:s6], [sflag:s22] =	dma.local [hbm:s4], s20  }
0x9e: {  	_ =	swait.ge [sflag:s22], s20  }
0x9f: {  	s3 =	ssub.s32 $0x0, s20;
	[sflag:s22] =	ssyncset.done $0x0  }
0xa0: {  	[sflag:s22] =	ssyncadd.s32 s3;
	_ =	sdelay $0x1  }
0xa1: {  	s23 =	simm.s32 $0x1B8B  }
0xa2: {  	_ =	swait.ge [sflag:s23], $0x1  }
0xa3: {  	[sflag:s23] =	ssyncset.done $0x0  }
0xa4: {  	s25 =	simm.s32 $0x1B8E;
	s24 =	sld [smem:$0x3FFE];
	[sflag:s23] =	ssyncadd.s32 $0xFFFFFFFF  }
0xa5: {  	s26 =	simm.s32 $execute0_lowered;
	[smem:$0x3FD2] =	sst s25  }
0xa6: {  	s4 =	sshll.u32 s26, $0x1;
	_ =	strace $0x80000049;
	[dreg:$0x1] =	wrdreg $0xFFFFFFFF  }
0xa7: {  	s28 =	simm.s32 $_size_execute0_lowered;
	s2 =	sadd.s32 s2, s4;
	[dreg:$0x0] =	wrdreg $0x0  }
0xa8: {  	s4 =	sshll.u32 s28, $0x1;
	[dreg:$0x2] =	wrdreg s2  }
0xa9: {  	[dreg:$0x3] =	wrdreg s4  }
0xaa: {  	[dreg:$0x4] =	wrdreg $0xC0  }
0xab: {  	_ =	task [dreg:s6], $0x5FFFF  }
0xac: {  	[dreg:$0x1] =	wrdreg $0xFFFFFFFF  }
0xad: {  	[dreg:$0x0] =	wrdreg $0x60  }
0xae: {  	[dreg:$0x2] =	wrdreg s24  }
0xaf: {  	[dreg:$0x3] =	wrdreg $0xA0000  }
0xb0: {  	[dreg:$0x4] =	wrdreg $0x9  }
0xb1: {  	_ =	task.clear_ibuf [dreg:s6], $0x5FFFF;
	_ =	strace $0x90000049  }
0xb2: {  	s29 =	simm.s32 $0x9;
	_ =	strace $0x8000004B  }
0xb3: {  	_ =	swait.ge [sflag:s29], $0x1  }
0xb4: {  	[sflag:s29] =	ssyncadd.s32 $0xFFFFFFFF  }
0xb5: {  	_ =	strace $0x9000004B  }
0xb6: {  	_ =	sfence  }
0xb7: {  	s30 =	sld [smem:$0x0];
	_ =	sdelay $0x2  }
0xb8: {  	s31 =	sshll.u32 s1, $0xD;
	s1 =	sshrl.u32 s1, $0x2  }
0xb9: {  	s3 =	sand.u32 $0x4000, s31;
	s1 =	sadd.s32 s1, s30  }
0xba: {  	s0 =	sor.u32 s3, s0;
	s1 =	sshll.u32 s1, $0x11  }
0xbb: {  	s0 =	sor.u32 s1, s0  }
0xbc: {  	s0 =	sadd.s32 $0x8F2B, s0  }
0xbd: {  	[sflag:s0] =	ssyncadd.remote.s32 $0x1  }
0xbe: {  	_ =	sfence.sel $0xFFFF  }
0xbf: {  	[dreg:$0x0] =	wrdreg $0xFFFFFFFF;
	(pc) =	sbr.abs _section_cstart, $3  }
0xc0: {  	[dreg:$0x1] =	wrdreg $0xFFFFFFFF  }
0xc1: {  	_ =	task.clear_ibuf [dreg:s6], $0x2FFFF;
	_ =	strace $0x9FFFFFFF  }
0xc2: {  	(tm) =	ssettm $0x7FFFFFFF  }
0xc3: {  	_ =	shalt  }
tec
execute0_lowered:
.L_overlay_start_1:
0x0: {  	(tag) =	ssettag $0x1  }
0x1: {  	s7 =	rddreg [dreg:$0x0]  }
0x2: {  	s1 =	rddreg [dreg:$0x1]  }
0x3: {  	s0 =	rddreg [dreg:$0x2];
	s3 =	simm.s32 $0x0;
	s2 =	srdreg.scid  }
0x4: {  	s17 =	simm.s32 $0x2000;
	s18 =	simm.s32 $0x6000;
	s8 =	sand.u32 $0x1, s2  }
0x5: {  	s19 =	simm.s32 $0x1;
	s2 =	stileid.u32;
	s9 =	smul.u32 $0x140000, s8  }
0x6: {  	s20 =	simm.s32 $0x2;
	s21 =	simm.s32 $0x1F00;
	s10 =	smul.u32 $0x14000, s2  }
0x7: {  	s22 =	simm.s32 $0x1F80;
	[smem:$0x7FF] =	sst s3;
	s11 =	smul.u32 $0x50000, s2  }
0x8: {  	s4 =	sadd.s32 $0x2FA00, s7;
	s5 =	sadd.s32 $0x1BA00, s7;
	s26 =	smul.u32 $0x28000, s8  }
0x9: {  	s6 =	sadd.s32 $0x2A00, s7;
	s12 =	ssub.s32 $0x2, s8;
	s13 =	smul.u32 $0x2800, s2  }
0xa: {  	_ =	strace $0x8000004A;
	s15 =	smul.u32 $0x50000, s8;
	s28 =	sshrl.u32 s12, $0x1  }
0xb: {  	s31 =	sshll.u32 s2, $0x6;
	s9 =	sadd.s32 s10, s9;
	s12 =	ssub.s32 s12, s28  }
0xc: {  	s29 =	sshrl.u32 s11, $0x2;
	s30 =	sadd.s32 s13, s26;
	s9 =	sshrl.u32 s9, $0x3  }
0xd: {  	s16 =	sadd.s32 s29, s1;
	s8 =	sadd.s32 s4, s30;
	s12 =	smax.u32 s12, $0x1  }
0xe: {  	s14 =	sadd.s32 s9, s7;
	s7 =	smul.u32 $0x5000, s2;
	s9 =	sor.u32 $0x1C03, s31  }
0xf: {  	s13 =	sshrl.u32 s16, $0x3;
	s16 =	simm.s32 $0x80;
	s11 =	sadd.s32 $0x7FA00, s14  }
0x10: {  	s14 =	simm.s32 $0x3;
	s10 =	sadd.s32 s15, s7;
	s15 =	simm.s32 $0x1000  }
.LBB2_1:
0x11: {  	[spmem:s13], [sflag:s9] =	dma.local [hbm:s8], $0x2800  }
0x12: {  	_ =	swait.ge [sflag:s14], $0x2800  }
0x13: {  	[sflag:s14] =	ssyncset.done $0x0  }
0x14: {  	[sflag:s14] =	ssyncadd.s32 $0xFFFFD800  }
0x15: {  	s23 =	simm.s32 $0x0;
	[bflag:$0x0] =	sbarrier.arrive $0xFFFF  }
.LBB2_2:
0x16: {  	s24 =	sshll.u32 s23, $0xC  }
0x17: {  	s25 =	sadd.s32 s10, s24  }
0x18: {  	s25 =	sshrl.u32 s25, $0x3  }
0x19: {  	s26 =	simm.s32 $0x0;
	s25 =	sadd.s32 s5, s25  }
0x1a: {  	[tilespmem:s26], [sflag:$0x3] =	stream.linear.gather [hbm4b:s25+s26], $0x1000, $0x38;
	[tilespmem:$0x1E000] =	vst v63  }
0x1b: {  	s24 =	sadd.s32 s7, s24;
	_ =	swait.ge [sflag:s14], $0x1000  }
0x1c: {  	s24 =	sshrl.u32 s24, $0x3;
	[sflag:s14] =	ssyncset.done $0x0  }
0x1d: {  	s24 =	sadd.s32 s6, s24;
	[sflag:s14] =	ssyncadd.s32 $0xFFFFF000  }
0x1e: {  	[tilespmem:s15], [sflag:$0x3] =	stream.linear.gather [hbm4b:s24+s26], $0x1000, $0x38;
	[tilespmem:$0x1E000] =	vst v63  }
0x1f: {  	_ =	swait.ge [sflag:s14], $0x1000  }
0x20: {  	[sflag:s14] =	ssyncset.done $0x0  }
0x21: {  	[sflag:s14] =	ssyncadd.s32 $0xFFFFF000  }
0x22: {  	[tilespmem:s17], [sflag:$0x1] =	stream.indirect.gather [hbm4b:s4+s16], $0x80, s26, s16, $0xb8;
	[tilespmem:$0x1E000] =	vst v63  }
0x23: {  	_ = 	snop  }
0x24: {  	[tilespmem:s18], [sflag:$0x2] =	stream.indirect.gather [hbm4b:s4+s16], $0x80, s16, s16, $0xb8;
	[tilespmem:$0x1E000] =	vst v63  }
0x25: {  	_ =	swait.ge [sflag:s19], $0x4000  }
0x26: {  	[sflag:s19] =	ssyncset.done $0x0  }
0x27: {  	s29 =	simm.s32 $0x1000;
	[sflag:s19] =	ssyncadd.s32 $0xFFFFC000  }
0x28: {  	[spmem:s1] =	stream.indirect.scatter.add.f32 [tilespmem:s17], [sflag:$0x3], $0x80, s29, s16, $0xb8;
	[tilespmem:$0x1E000] =	vst v63  }
0x29: {  	_ =	swait.ge [sflag:s14], $0x4000  }
0x2a: {  	[sflag:s14] =	ssyncset.done $0x0  }
0x2b: {  	s30 =	simm.s32 $0x100;
	[sflag:s14] =	ssyncadd.s32 $0xFFFFC000  }
0x2c: {  	[tilespmem:s17], [sflag:$0x1] =	stream.indirect.gather [hbm4b:s4+s16], $0x80, s30, s16, $0xb8;
	[tilespmem:$0x1E000] =	vst v63  }
0x2d: {  	_ =	swait.ge [sflag:s20], $0x4000  }
0x2e: {  	[sflag:s20] =	ssyncset.done $0x0  }
0x2f: {  	s31 =	simm.s32 $0x1080;
	[sflag:s20] =	ssyncadd.s32 $0xFFFFC000  }
0x30: {  	[spmem:s1] =	stream.indirect.scatter.add.f32 [tilespmem:s18], [sflag:$0x3], $0x80, s31, s16, $0xb8;
	[tilespmem:$0x1E000] =	vst v63  }
0x31: {  	_ =	swait.ge [sflag:s14], $0x4000  }
0x32: {  	[sflag:s14] =	ssyncset.done $0x0  }
0x33: {  	s25 =	simm.s32 $0x180;
	s24 =	simm.s32 $0x400;
	[sflag:s14] =	ssyncadd.s32 $0xFFFFC000  }
.LBB2_3:
0x34: {  	[tilespmem:s18], [sflag:$0x2] =	stream.indirect.gather [hbm4b:s4+s16], $0x80, s25, s16, $0xb8;
	[tilespmem:$0x1E000] =	vst v63  }
0x35: {  	s25 =	smov.u32 s24  }
0x36: {  	p0 =	sne.s32 s24, $0x3800;
	s24 =	sadd.s32 $0x400, s24;
	_ =	swait.ge [sflag:s19], $0x4000  }
0x37: {  	s25 =	sshra.s32 s25, $0x2;
	[sflag:s19] =	ssyncset.done $0x0  }
0x38: {  	s26 =	sadd.s32 $0x1000, s25;
	[sflag:s19] =	ssyncadd.s32 $0xFFFFC000  }
0x39: {  	[spmem:s1] =	stream.indirect.scatter.add.f32 [tilespmem:s17], [sflag:$0x3], $0x80, s26, s16, $0xb8;
	[tilespmem:$0x1E000] =	vst v63  }
0x3a: {  	_ =	swait.ge [sflag:s14], $0x4000  }
0x3b: {  	[sflag:s14] =	ssyncset.done $0x0  }
0x3c: {  	s26 =	sadd.s32 $0x100, s25;
	[sflag:s14] =	ssyncadd.s32 $0xFFFFC000  }
0x3d: {  	[tilespmem:s17], [sflag:$0x1] =	stream.indirect.gather [hbm4b:s4+s16], $0x80, s26, s16, $0xb8;
	[tilespmem:$0x1E000] =	vst v63  }
0x3e: {  	_ =	swait.ge [sflag:s20], $0x4000  }
0x3f: {  	[sflag:s20] =	ssyncset.done $0x0  }
.Ltmp0:
0x40: {  	s26 =	sadd.s32 $0x1080, s25;
	[sflag:s20] =	ssyncadd.s32 $0xFFFFC000;
	(pc) =	sbr.rel @p0 .LBB2_3-.Ltmp0, $4  }
0x41: {  	[spmem:s1] =	stream.indirect.scatter.add.f32 [tilespmem:s18], [sflag:$0x3], $0x80, s26, s16, $0xb8;
	[tilespmem:$0x1E000] =	vst v63  }
0x42: {  	_ =	swait.ge [sflag:s14], $0x4000  }
0x43: {  	[sflag:s14] =	ssyncset.done $0x0  }
0x44: {  	s25 =	sadd.s32 $0x180, s25;
	[sflag:s14] =	ssyncadd.s32 $0xFFFFC000  }
0x45: {  	[tilespmem:s18], [sflag:$0x2] =	stream.indirect.gather [hbm4b:s4+s16], $0x80, s25, s16, $0xb8;
	[tilespmem:$0x1E000] =	vst v63  }
0x46: {  	_ =	swait.ge [sflag:s19], $0x4000  }
0x47: {  	[sflag:s19] =	ssyncset.done $0x0  }
0x48: {  	[sflag:s19] =	ssyncadd.s32 $0xFFFFC000  }
0x49: {  	[spmem:s1] =	stream.indirect.scatter.add.f32 [tilespmem:s17], [sflag:$0x3], $0x80, s21, s16, $0xb8;
	[tilespmem:$0x1E000] =	vst v63  }
0x4a: {  	_ =	swait.ge [sflag:s14], $0x4000  }
0x4b: {  	[sflag:s14] =	ssyncset.done $0x0  }
0x4c: {  	[sflag:s14] =	ssyncadd.s32 $0xFFFFC000  }
0x4d: {  	s23 =	sadd.s32 $0x1, s23;
	_ =	swait.ge [sflag:s20], $0x4000  }
0x4e: {  	p0 =	sne.s32 s23, $0x5;
	[sflag:s20] =	ssyncset.done $0x0  }
.Ltmp1:
0x4f: {  	[sflag:s20] =	ssyncadd.s32 $0xFFFFC000;
	(pc) =	sbr.rel @p0 .LBB2_2-.Ltmp1, $4  }
0x50: {  	[spmem:s1] =	stream.indirect.scatter.add.f32 [tilespmem:s18], [sflag:$0x3], $0x80, s22, s16, $0xb8;
	[tilespmem:$0x1E000] =	vst v63  }
0x51: {  	_ =	swait.ge [sflag:s14], $0x4000  }
0x52: {  	[sflag:s14] =	ssyncset.done $0x0  }
0x53: {  	[sflag:s14] =	ssyncadd.s32 $0xFFFFC000  }
0x54: {  	s3 =	sadd.s32 $0x1, s3  }
0x55: {  	p0 =	sne.s32 s3, s12  }
.Ltmp2:
0x56: {  	[bflag:$0x0] =	sbarrier.arrive $0xFFFF;
	(pc) =	sbr.rel @p0 .LBB2_1-.Ltmp2, $4  }
0x57: {  	[hbm:s11], [sflag:s9] =	dma.local [spmem:s13], $0x2800  }
0x58: {  	_ =	swait.ge [sflag:s14], $0x2800  }
0x59: {  	[sflag:s14] =	ssyncset.done $0x0  }
0x5a: {  	[sflag:s14] =	ssyncadd.s32 $0xFFFFD800  }
0x5b: {  	_ =	sfence.sel $0x180000  }
0x5c: {  	[bflag:$0x0] =	sbarrier.arrive $0xFFFF  }
0x5d: {  	p0 =	sne.s32 s2, $0x0;
	_ =	strace $0x9000004A  }
0x5e: {  	s0 =	sadd.s32 @!p0 $0x100000, s0;
	[bflag:$0x2] =	sbarrier.arrive $0xFFFF  }
0x5f: {  	[sflag:s0] =	ssyncadd.tile.s32 @!p0 $0x1;
	_ =	shalt  }
.Lfunc_end2:
_tile_overlayer_lowered:
.L_overlay_start_2:
0x60: {  	(tag) =	ssettag $0x2  }
0x61: {  	s0 =	rddreg [dreg:$0x0];
	s2 =	stileid.u32  }
0x62: {  	s1 =	rddreg [dreg:$0x1];
	p0 =	sne.s32 s2, $0x0  }
0x63: {  	s3 =	rddreg [dreg:$0x2];
	[bflag:$0x3] =	sbarrier.arrive $0xFFFF;
	s2 =	simm.s32 @!p0 $0x1C03  }
0x64: {  	[timem:s3], [sflag:s2] =	dma.local @!p0 [hbm:s0], s1  }
0x65: {  	s0 =	simm.s32 @!p0 $0x3  }
0x66: {  	_ =	swait.ge @!p0 [sflag:s0], s1  }
0x67: {  	s1 =	ssub.s32 @!p0 $0x0, s1;
	[sflag:s0] =	ssyncset.done @!p0 $0x0  }
0x68: {  	[sflag:s0] =	ssyncadd.s32 @!p0 s1  }
0x69: {  	[bflag:$0x3] =	sbarrier.arrive $0xFFFF  }
0x6a: {  	_ =	shalt  }

// kernel: kernel.14.cloned.1.call-start
scs
__scs_entry_jumppad:
0x0: {  	(pc) =	sbr.rel $0x88, $3  }
0x1: {  	(tag) =	ssettag $0x0;
	lr =	simm.s32 $0x1  }
0x2: {  	[smem:$0x3F94] =	sst lr;
	_ =	strace $0xD0000000  }
0x3: {  	_ = 	snop  }
0x4: {  	_ = 	snop  }
0x5: {  	_ = 	snop  }
0x6: {  	_ = 	snop  }
0x7: {  	_ = 	snop  }
__scs_overlays_trampoline_lowered:
0x8: {  	[smem:$0x3FA3] =	sst s0  }
0x9: {  	[smem:$0x3FA4] =	sst s1  }
0xa: {  	[smem:$0x3FA5] =	sst s2  }
0xb: {  	[smem:$0x3FA6] =	sst s3  }
0xc: {  	[smem:$0x3FA7] =	sst s4  }
0xd: {  	[smem:$0x3FA8] =	sst s5  }
0xe: {  	[smem:$0x3FA9] =	sst s6  }
0xf: {  	[smem:$0x3FAA] =	sst s7  }
0x10: {  	[smem:$0x3FAB] =	sst s8  }
0x11: {  	[smem:$0x3FAC] =	sst s9;
	s0 =	simm.s32 @!p0 $0x0  }
0x12: {  	s1 =	sld [smem:$0x3F92];
	s0 =	simm.s32 @p0 $0x1  }
0x13: {  	[smem:$0x3FAD] =	sst s0;
	s0 =	simm.s32 @!p1 $0x0  }
0x14: {  	s2 =	sld [smem:$0x3F91];
	s0 =	simm.s32 @p1 $0x1  }
0x15: {  	[smem:$0x3FAE] =	sst s0;
	s0 =	simm.s32 @!p2 $0x0  }
0x16: {  	s3 =	sld [smem:$0x3FDB];
	s0 =	simm.s32 @p2 $0x1  }
0x17: {  	s4 =	simm.s32 $0x1BF5;
	[smem:$0x3FB0] =	sst s0  }
0x18: {  	s0 =	sld [smem:$0x3F93];
	_ =	swait.ge [sflag:s4], $0x0  }
0x19: {  	s7 =	sld [smem:$0x3F94]  }
0x1a: {  	s8 =	sadd.s32 $0xFFFFE003, lr  }
0x1b: {  	s9 =	sadd.s32 $0xFFFFFEF7, lr;
	s5 =	simm.s32 $0xFFFFFFFF;
	p2 =	slt.u32 s8, $0xFFFFF086  }
0x1c: {  	p1 =	slt.u32 s9, $0xF7A;
	s5 =	simm.s32 @!p2 $0x0  }
0x1d: {  	s5 =	simm.s32 @p1 $0x1;
	p0 =	seq.s32 s7, s2  }
0x1e: {  	s7 =	smul.u32 @!p0 $0xF7A, s2;
	p2 =	seq.s32 @!p0 s5, $0x0  }
0x1f: {  	s9 =	smul.u32 $0xF7A, s1;
	s8 =	simm.s32 @!p0 $0x1BF5;
	p2 =	por !p2, p0  }
0x20: {  	[sflag:s8] =	ssyncset.s32 @!p0 $0xFFFFF086;
	s6 =	sadd.s32 @!p0 s3, s7;
	s7 =	simm.s32 @!p0 $0x108  }
0x21: {  	s3 =	sadd.s32 s3, s9;
	s6 =	sadd.s32 @!p0 $0x88, s6;
	s7 =	simm.s32 @p2 $0x1082  }
0x22: {  	[simem:s7], [sflag:s8] =	dma.local @!p0 [hbm:s6], $0xF7A  }
0x23: {  	s9 =	sor.u32 $0xD0000000, s2;
	s6 =	simm.s32 $0x108;
	_ =	swait.ge @!p0 [sflag:s8], $0x0  }
0x24: {  	s3 =	sadd.s32 $0x88, s3;
	s6 =	simm.s32 @!p1 $0x1082;
	[sflag:s4] =	ssyncset.s32 $0xFFFFF086  }
0x25: {  	[simem:s6], [sflag:s4] =	dma.local [hbm:s3], $0xF7A  }
0x26: {  	[smem:$0x3F94] =	sst s1;
	(tag) =	ssettag s2;
	_ =	strace s9  }
0x27: {  	s1 =	sld [smem:$0x3FA4]  }
0x28: {  	s2 =	sld [smem:$0x3FA5]  }
0x29: {  	s4 =	sld [smem:$0x3FA7]  }
0x2a: {  	p0 =	seq.s32 s5, $0x0;
	s5 =	sld [smem:$0x3FA8]  }
0x2b: {  	s6 =	sld [smem:$0x3FA9]  }
0x2c: {  	s7 =	sld [smem:$0x3FAA]  }
0x2d: {  	s3 =	simm.s32 $0x108;
	s8 =	sld [smem:$0x3FAB]  }
0x2e: {  	s3 =	simm.s32 @!p0 $0x1082;
	s9 =	sld [smem:$0x3FAC]  }
0x2f: {  	lr =	sadd.s32 s0, s3;
	s0 =	sld [smem:$0x3FA3]  }
0x30: {  	s3 =	sld [smem:$0x3FA6]  }
0x31: {  	[smem:$0x3FAF] =	sst s10  }
0x32: {  	s10 =	sld [smem:$0x3FAD];
	_ =	sdelay $0x3  }
0x33: {  	p0 =	seq.s32 s10, $0x1;
	s10 =	sld [smem:$0x3FAF];
	_ =	sdelay $0x3  }
0x34: {  	[smem:$0x3FAF] =	sst s10  }
0x35: {  	s10 =	sld [smem:$0x3FAE];
	_ =	sdelay $0x3  }
0x36: {  	p1 =	seq.s32 s10, $0x1;
	s10 =	sld [smem:$0x3FAF];
	_ =	sdelay $0x3  }
0x37: {  	[smem:$0x3FAF] =	sst s10  }
0x38: {  	s10 =	sld [smem:$0x3FB0]  }
0x39: {  	_ = 	snop;
	(pc) =	sbr.ind lr, $3  }
0x3a: {  	_ = 	snop  }
0x3b: {  	_ = 	snop  }
0x3c: {  	p2 =	seq.s32 s10, $0x1;
	s10 =	sld [smem:$0x3FAF]  }
0x3d: {  	_ =	shalt  }
0x3e: {  	_ =	shalt  }
0x3f: {  	_ =	shalt  }
0x40: {  	_ =	shalt  }
0x41: {  	_ =	shalt  }
0x42: {  	_ =	shalt  }
0x43: {  	_ =	shalt  }
0x44: {  	_ =	shalt  }
0x45: {  	_ =	shalt  }
0x46: {  	_ =	shalt  }
0x47: {  	_ =	shalt  }
0x48: {  	_ =	shalt  }
0x49: {  	_ =	shalt  }
0x4a: {  	_ =	shalt  }
0x4b: {  	_ =	shalt  }
0x4c: {  	_ =	shalt  }
0x4d: {  	_ =	shalt  }
0x4e: {  	_ =	shalt  }
0x4f: {  	_ =	shalt  }
0x50: {  	_ =	shalt  }
0x51: {  	_ =	shalt  }
0x52: {  	_ =	shalt  }
0x53: {  	_ =	shalt  }
0x54: {  	_ =	shalt  }
0x55: {  	_ =	shalt  }
0x56: {  	_ =	shalt  }
0x57: {  	_ =	shalt  }
0x58: {  	_ =	shalt  }
0x59: {  	_ =	shalt  }
0x5a: {  	_ =	shalt  }
0x5b: {  	_ =	shalt  }
0x5c: {  	_ =	shalt  }
0x5d: {  	_ =	shalt  }
0x5e: {  	_ =	shalt  }
0x5f: {  	_ =	shalt  }
0x60: {  	_ =	shalt  }
0x61: {  	_ =	shalt  }
0x62: {  	_ =	shalt  }
0x63: {  	_ =	shalt  }
0x64: {  	_ =	shalt  }
0x65: {  	_ =	shalt  }
0x66: {  	_ =	shalt  }
0x67: {  	_ =	shalt  }
0x68: {  	_ =	shalt  }
0x69: {  	_ =	shalt  }
0x6a: {  	_ =	shalt  }
0x6b: {  	_ =	shalt  }
0x6c: {  	_ =	shalt  }
0x6d: {  	_ =	shalt  }
0x6e: {  	_ =	shalt  }
0x6f: {  	_ =	shalt  }
0x70: {  	_ =	shalt  }
0x71: {  	_ =	shalt  }
0x72: {  	_ =	shalt  }
0x73: {  	_ =	shalt  }
0x74: {  	_ =	shalt  }
0x75: {  	_ =	shalt  }
0x76: {  	_ =	shalt  }
0x77: {  	_ =	shalt  }
0x78: {  	_ =	shalt  }
0x79: {  	_ =	shalt  }
0x7a: {  	_ =	shalt  }
0x7b: {  	_ =	shalt  }
0x7c: {  	_ =	shalt  }
0x7d: {  	_ =	shalt  }
0x7e: {  	_ =	shalt  }
0x7f: {  	_ =	shalt  }
0x80: {  	_ =	shalt  }
0x81: {  	_ =	shalt  }
0x82: {  	_ =	shalt  }
0x83: {  	_ =	shalt  }
0x84: {  	_ =	shalt  }
0x85: {  	_ =	shalt  }
0x86: {  	_ =	shalt  }
0x87: {  	_ =	shalt  }
.Lfunc_end0:
.L_simem_size_0:
called_computation.2_lowered:
.L_overlay_start_0:
0x88: {  	s2 =	sld [smem:$0x3FD9]  }
0x89: {  	s3 =	sld [smem:$0x3FFE];
	_ =	sdelay $0x1  }
0x8a: {  	s1 =	srdreg.scid  }
0x8b: {  	s0 =	sand.u32 $0x1, s1  }
0x8c: {  	s16 =	sshll.u32 s0, $0xA;
	s2 =	sadd.s32 s3, s2  }
0x8d: {  	s2 =	sadd.s32 s2, s16  }
0x8e: {  	[smem:$0x3FBB] =	sst s2  }
0x8f: {  	_ = 	snop  }
0x90: {  	(tm) =	ssettm $0x1  }
0x91: {  	s17 =	sld [smem:$0x3FFB];
	_ =	sdelay $0x3  }
0x92: {  	_ =	strace s17  }
0x93: {  	s2 =	sld [smem:$0x3FFC];
	_ =	sdelay $0x3  }
0x94: {  	_ =	strace s2  }
0x95: {  	s2 =	sld [smem:$0x3FFD];
	_ =	sdelay $0x3  }
0x96: {  	_ =	strace s2  }
0x97: {  	_ =	strace $0x8FFFFFFF  }
0x98: {  	s18 =	sld [smem:$0x3FDB];
	_ =	sdelay $0x1  }
0x99: {  	s19 =	simm.s32 $_scs_section_size  }
0x9a: {  	s4 =	simm.s32 $_size__tile_overlayer_lowered;
	s5 =	simm.s32 $_tile_overlayer_lowered  }
0x9b: {  	s22 =	simm.s32 $0x1BFF;
	s21 =	sshll.u32 s5, $0x1;
	s2 =	sadd.s32 s19, s18  }
0x9c: {  	s6 =	simm.s32 $0x0;
	s20 =	sshll.u32 s4, $0x1;
	s4 =	sadd.s32 s21, s2  }
0x9d: {  	[timem:s6], [sflag:s22] =	dma.local [hbm:s4], s20  }
0x9e: {  	_ =	swait.ge [sflag:s22], s20  }
0x9f: {  	s3 =	ssub.s32 $0x0, s20;
	[sflag:s22] =	ssyncset.done $0x0  }
0xa0: {  	[sflag:s22] =	ssyncadd.s32 s3;
	_ =	sdelay $0x1  }
0xa1: {  	s23 =	simm.s32 $0x1B8B  }
0xa2: {  	_ =	swait.ge [sflag:s23], $0x1  }
0xa3: {  	[sflag:s23] =	ssyncset.done $0x0  }
0xa4: {  	s25 =	simm.s32 $0x1B8E;
	s24 =	sld [smem:$0x3FFE];
	[sflag:s23] =	ssyncadd.s32 $0xFFFFFFFF  }
0xa5: {  	s26 =	simm.s32 $execute0_lowered;
	[smem:$0x3FD2] =	sst s25  }
0xa6: {  	s4 =	sshll.u32 s26, $0x1;
	_ =	strace $0x8000004C;
	[dreg:$0x1] =	wrdreg $0xFFFFFFFF  }
0xa7: {  	s28 =	simm.s32 $_size_execute0_lowered;
	s2 =	sadd.s32 s2, s4;
	[dreg:$0x0] =	wrdreg $0x0  }
0xa8: {  	s4 =	sshll.u32 s28, $0x1;
	[dreg:$0x2] =	wrdreg s2  }
0xa9: {  	[dreg:$0x3] =	wrdreg s4  }
0xaa: {  	[dreg:$0x4] =	wrdreg $0xC0  }
0xab: {  	_ =	task [dreg:s6], $0x5FFFF  }
0xac: {  	[dreg:$0x1] =	wrdreg $0xFFFFFFFF  }
0xad: {  	[dreg:$0x0] =	wrdreg $0x60  }
0xae: {  	[dreg:$0x2] =	wrdreg s24  }
0xaf: {  	[dreg:$0x3] =	wrdreg $0xA0000  }
0xb0: {  	[dreg:$0x4] =	wrdreg $0x9  }
0xb1: {  	_ =	task.clear_ibuf [dreg:s6], $0x5FFFF;
	_ =	strace $0x9000004C  }
0xb2: {  	s29 =	simm.s32 $0x9;
	_ =	strace $0x8000004E  }
0xb3: {  	_ =	swait.ge [sflag:s29], $0x1  }
0xb4: {  	[sflag:s29] =	ssyncadd.s32 $0xFFFFFFFF  }
0xb5: {  	_ =	strace $0x9000004E  }
0xb6: {  	_ =	sfence  }
0xb7: {  	s30 =	sld [smem:$0x0];
	_ =	sdelay $0x2  }
0xb8: {  	s31 =	sshll.u32 s1, $0xD;
	s1 =	sshrl.u32 s1, $0x2  }
0xb9: {  	s3 =	sand.u32 $0x4000, s31;
	s1 =	sadd.s32 s1, s30  }
0xba: {  	s0 =	sor.u32 s3, s0;
	s1 =	sshll.u32 s1, $0x11  }
0xbb: {  	s0 =	sor.u32 s1, s0  }
0xbc: {  	s0 =	sadd.s32 $0x8F2B, s0  }
0xbd: {  	[sflag:s0] =	ssyncadd.remote.s32 $0x1  }
0xbe: {  	_ =	sfence.sel $0xFFFF  }
0xbf: {  	[dreg:$0x0] =	wrdreg $0xFFFFFFFF;
	(pc) =	sbr.abs _section_cstart, $3  }
0xc0: {  	[dreg:$0x1] =	wrdreg $0xFFFFFFFF  }
0xc1: {  	_ =	task.clear_ibuf [dreg:s6], $0x2FFFF;
	_ =	strace $0x9FFFFFFF  }
0xc2: {  	(tm) =	ssettm $0x7FFFFFFF  }
0xc3: {  	_ =	shalt  }
tec
execute0_lowered:
.L_overlay_start_1:
0x0: {  	(tag) =	ssettag $0x1  }
0x1: {  	s7 =	rddreg [dreg:$0x0]  }
0x2: {  	s1 =	rddreg [dreg:$0x1]  }
0x3: {  	s0 =	rddreg [dreg:$0x2];
	s3 =	simm.s32 $0x0;
	s2 =	srdreg.scid  }
0x4: {  	s17 =	simm.s32 $0x2000;
	s18 =	simm.s32 $0x6000;
	s8 =	sand.u32 $0x1, s2  }
0x5: {  	s19 =	simm.s32 $0x1;
	s2 =	stileid.u32;
	s9 =	smul.u32 $0x140000, s8  }
0x6: {  	s20 =	simm.s32 $0x2;
	s21 =	simm.s32 $0x1F00;
	s10 =	smul.u32 $0x14000, s2  }
0x7: {  	s22 =	simm.s32 $0x1F80;
	[smem:$0x7FF] =	sst s3;
	s11 =	smul.u32 $0x50000, s2  }
0x8: {  	s4 =	sadd.s32 $0x2FA00, s7;
	s5 =	sadd.s32 $0x1BA00, s7;
	s26 =	smul.u32 $0x28000, s8  }
0x9: {  	s6 =	sadd.s32 $0x2A00, s7;
	s12 =	ssub.s32 $0x2, s8;
	s13 =	smul.u32 $0x2800, s2  }
0xa: {  	_ =	strace $0x8000004D;
	s15 =	smul.u32 $0x50000, s8;
	s28 =	sshrl.u32 s12, $0x1  }
0xb: {  	s31 =	sshll.u32 s2, $0x6;
	s9 =	sadd.s32 s10, s9;
	s12 =	ssub.s32 s12, s28  }
0xc: {  	s29 =	sshrl.u32 s11, $0x2;
	s30 =	sadd.s32 s13, s26;
	s9 =	sshrl.u32 s9, $0x3  }
0xd: {  	s16 =	sadd.s32 s29, s1;
	s8 =	sadd.s32 s4, s30;
	s12 =	smax.u32 s12, $0x1  }
0xe: {  	s14 =	sadd.s32 s9, s7;
	s7 =	smul.u32 $0x5000, s2;
	s9 =	sor.u32 $0x1C03, s31  }
0xf: {  	s13 =	sshrl.u32 s16, $0x3;
	s16 =	simm.s32 $0x80;
	s11 =	sadd.s32 $0x7FA00, s14  }
0x10: {  	s14 =	simm.s32 $0x3;
	s10 =	sadd.s32 s15, s7;
	s15 =	simm.s32 $0x1000  }
.LBB2_1:
0x11: {  	[spmem:s13], [sflag:s9] =	dma.local [hbm:s8], $0x2800  }
0x12: {  	_ =	swait.ge [sflag:s14], $0x2800  }
0x13: {  	[sflag:s14] =	ssyncset.done $0x0  }
0x14: {  	[sflag:s14] =	ssyncadd.s32 $0xFFFFD800  }
0x15: {  	s23 =	simm.s32 $0x0;
	[bflag:$0x0] =	sbarrier.arrive $0xFFFF  }
.LBB2_2:
0x16: {  	s24 =	sshll.u32 s23, $0xC  }
0x17: {  	s25 =	sadd.s32 s10, s24  }
0x18: {  	s25 =	sshrl.u32 s25, $0x3  }
0x19: {  	s26 =	simm.s32 $0x0;
	s25 =	sadd.s32 s5, s25  }
0x1a: {  	[tilespmem:s26], [sflag:$0x3] =	stream.linear.gather [hbm4b:s25+s26], $0x1000, $0x38;
	[tilespmem:$0x1E000] =	vst v63  }
0x1b: {  	s24 =	sadd.s32 s7, s24;
	_ =	swait.ge [sflag:s14], $0x1000  }
0x1c: {  	s24 =	sshrl.u32 s24, $0x3;
	[sflag:s14] =	ssyncset.done $0x0  }
0x1d: {  	s24 =	sadd.s32 s6, s24;
	[sflag:s14] =	ssyncadd.s32 $0xFFFFF000  }
0x1e: {  	[tilespmem:s15], [sflag:$0x3] =	stream.linear.gather [hbm4b:s24+s26], $0x1000, $0x38;
	[tilespmem:$0x1E000] =	vst v63  }
0x1f: {  	_ =	swait.ge [sflag:s14], $0x1000  }
0x20: {  	[sflag:s14] =	ssyncset.done $0x0  }
0x21: {  	[sflag:s14] =	ssyncadd.s32 $0xFFFFF000  }
0x22: {  	[tilespmem:s17], [sflag:$0x1] =	stream.indirect.gather [hbm4b:s4+s16], $0x80, s26, s16, $0xb8;
	[tilespmem:$0x1E000] =	vst v63  }
0x23: {  	_ = 	snop  }
0x24: {  	[tilespmem:s18], [sflag:$0x2] =	stream.indirect.gather [hbm4b:s4+s16], $0x80, s16, s16, $0xb8;
	[tilespmem:$0x1E000] =	vst v63  }
0x25: {  	_ =	swait.ge [sflag:s19], $0x4000  }
0x26: {  	[sflag:s19] =	ssyncset.done $0x0  }
0x27: {  	s29 =	simm.s32 $0x1000;
	[sflag:s19] =	ssyncadd.s32 $0xFFFFC000  }
0x28: {  	[spmem:s1] =	stream.indirect.scatter.add.f32 [tilespmem:s17], [sflag:$0x3], $0x80, s29, s16, $0xb8;
	[tilespmem:$0x1E000] =	vst v63  }
0x29: {  	_ =	swait.ge [sflag:s14], $0x4000  }
0x2a: {  	[sflag:s14] =	ssyncset.done $0x0  }
0x2b: {  	s30 =	simm.s32 $0x100;
	[sflag:s14] =	ssyncadd.s32 $0xFFFFC000  }
0x2c: {  	[tilespmem:s17], [sflag:$0x1] =	stream.indirect.gather [hbm4b:s4+s16], $0x80, s30, s16, $0xb8;
	[tilespmem:$0x1E000] =	vst v63  }
0x2d: {  	_ =	swait.ge [sflag:s20], $0x4000  }
0x2e: {  	[sflag:s20] =	ssyncset.done $0x0  }
0x2f: {  	s31 =	simm.s32 $0x1080;
	[sflag:s20] =	ssyncadd.s32 $0xFFFFC000  }
0x30: {  	[spmem:s1] =	stream.indirect.scatter.add.f32 [tilespmem:s18], [sflag:$0x3], $0x80, s31, s16, $0xb8;
	[tilespmem:$0x1E000] =	vst v63  }
0x31: {  	_ =	swait.ge [sflag:s14], $0x4000  }
0x32: {  	[sflag:s14] =	ssyncset.done $0x0  }
0x33: {  	s25 =	simm.s32 $0x180;
	s24 =	simm.s32 $0x400;
	[sflag:s14] =	ssyncadd.s32 $0xFFFFC000  }
.LBB2_3:
0x34: {  	[tilespmem:s18], [sflag:$0x2] =	stream.indirect.gather [hbm4b:s4+s16], $0x80, s25, s16, $0xb8;
	[tilespmem:$0x1E000] =	vst v63  }
0x35: {  	s25 =	smov.u32 s24  }
0x36: {  	p0 =	sne.s32 s24, $0x3800;
	s24 =	sadd.s32 $0x400, s24;
	_ =	swait.ge [sflag:s19], $0x4000  }
0x37: {  	s25 =	sshra.s32 s25, $0x2;
	[sflag:s19] =	ssyncset.done $0x0  }
0x38: {  	s26 =	sadd.s32 $0x1000, s25;
	[sflag:s19] =	ssyncadd.s32 $0xFFFFC000  }
0x39: {  	[spmem:s1] =	stream.indirect.scatter.add.f32 [tilespmem:s17], [sflag:$0x3], $0x80, s26, s16, $0xb8;
	[tilespmem:$0x1E000] =	vst v63  }
0x3a: {  	_ =	swait.ge [sflag:s14], $0x4000  }
0x3b: {  	[sflag:s14] =	ssyncset.done $0x0  }
0x3c: {  	s26 =	sadd.s32 $0x100, s25;
	[sflag:s14] =	ssyncadd.s32 $0xFFFFC000  }
0x3d: {  	[tilespmem:s17], [sflag:$0x1] =	stream.indirect.gather [hbm4b:s4+s16], $0x80, s26, s16, $0xb8;
	[tilespmem:$0x1E000] =	vst v63  }
0x3e: {  	_ =	swait.ge [sflag:s20], $0x4000  }
0x3f: {  	[sflag:s20] =	ssyncset.done $0x0  }
.Ltmp0:
0x40: {  	s26 =	sadd.s32 $0x1080, s25;
	[sflag:s20] =	ssyncadd.s32 $0xFFFFC000;
	(pc) =	sbr.rel @p0 .LBB2_3-.Ltmp0, $4  }
0x41: {  	[spmem:s1] =	stream.indirect.scatter.add.f32 [tilespmem:s18], [sflag:$0x3], $0x80, s26, s16, $0xb8;
	[tilespmem:$0x1E000] =	vst v63  }
0x42: {  	_ =	swait.ge [sflag:s14], $0x4000  }
0x43: {  	[sflag:s14] =	ssyncset.done $0x0  }
0x44: {  	s25 =	sadd.s32 $0x180, s25;
	[sflag:s14] =	ssyncadd.s32 $0xFFFFC000  }
0x45: {  	[tilespmem:s18], [sflag:$0x2] =	stream.indirect.gather [hbm4b:s4+s16], $0x80, s25, s16, $0xb8;
	[tilespmem:$0x1E000] =	vst v63  }
0x46: {  	_ =	swait.ge [sflag:s19], $0x4000  }
0x47: {  	[sflag:s19] =	ssyncset.done $0x0  }
0x48: {  	[sflag:s19] =	ssyncadd.s32 $0xFFFFC000  }
0x49: {  	[spmem:s1] =	stream.indirect.scatter.add.f32 [tilespmem:s17], [sflag:$0x3], $0x80, s21, s16, $0xb8;
	[tilespmem:$0x1E000] =	vst v63  }
0x4a: {  	_ =	swait.ge [sflag:s14], $0x4000  }
0x4b: {  	[sflag:s14] =	ssyncset.done $0x0  }
0x4c: {  	[sflag:s14] =	ssyncadd.s32 $0xFFFFC000  }
0x4d: {  	s23 =	sadd.s32 $0x1, s23;
	_ =	swait.ge [sflag:s20], $0x4000  }
0x4e: {  	p0 =	sne.s32 s23, $0x5;
	[sflag:s20] =	ssyncset.done $0x0  }
.Ltmp1:
0x4f: {  	[sflag:s20] =	ssyncadd.s32 $0xFFFFC000;
	(pc) =	sbr.rel @p0 .LBB2_2-.Ltmp1, $4  }
0x50: {  	[spmem:s1] =	stream.indirect.scatter.add.f32 [tilespmem:s18], [sflag:$0x3], $0x80, s22, s16, $0xb8;
	[tilespmem:$0x1E000] =	vst v63  }
0x51: {  	_ =	swait.ge [sflag:s14], $0x4000  }
0x52: {  	[sflag:s14] =	ssyncset.done $0x0  }
0x53: {  	[sflag:s14] =	ssyncadd.s32 $0xFFFFC000  }
0x54: {  	s3 =	sadd.s32 $0x1, s3  }
0x55: {  	p0 =	sne.s32 s3, s12  }
.Ltmp2:
0x56: {  	[bflag:$0x0] =	sbarrier.arrive $0xFFFF;
	(pc) =	sbr.rel @p0 .LBB2_1-.Ltmp2, $4  }
0x57: {  	[hbm:s11], [sflag:s9] =	dma.local [spmem:s13], $0x2800  }
0x58: {  	_ =	swait.ge [sflag:s14], $0x2800  }
0x59: {  	[sflag:s14] =	ssyncset.done $0x0  }
0x5a: {  	[sflag:s14] =	ssyncadd.s32 $0xFFFFD800  }
0x5b: {  	_ =	sfence.sel $0x180000  }
0x5c: {  	[bflag:$0x0] =	sbarrier.arrive $0xFFFF  }
0x5d: {  	p0 =	sne.s32 s2, $0x0;
	_ =	strace $0x9000004D  }
0x5e: {  	s0 =	sadd.s32 @!p0 $0x100000, s0;
	[bflag:$0x2] =	sbarrier.arrive $0xFFFF  }
0x5f: {  	[sflag:s0] =	ssyncadd.tile.s32 @!p0 $0x1;
	_ =	shalt  }
.Lfunc_end2:
_tile_overlayer_lowered:
.L_overlay_start_2:
0x60: {  	(tag) =	ssettag $0x2  }
0x61: {  	s0 =	rddreg [dreg:$0x0];
	s2 =	stileid.u32  }
0x62: {  	s1 =	rddreg [dreg:$0x1];
	p0 =	sne.s32 s2, $0x0  }
0x63: {  	s3 =	rddreg [dreg:$0x2];
	[bflag:$0x3] =	sbarrier.arrive $0xFFFF;
	s2 =	simm.s32 @!p0 $0x1C03  }
0x64: {  	[timem:s3], [sflag:s2] =	dma.local @!p0 [hbm:s0], s1  }
0x65: {  	s0 =	simm.s32 @!p0 $0x3  }
0x66: {  	_ =	swait.ge @!p0 [sflag:s0], s1  }
0x67: {  	s1 =	ssub.s32 @!p0 $0x0, s1;
	[sflag:s0] =	ssyncset.done @!p0 $0x0  }
0x68: {  	[sflag:s0] =	ssyncadd.s32 @!p0 s1  }
0x69: {  	[bflag:$0x3] =	sbarrier.arrive $0xFFFF  }
0x6a: {  	_ =	shalt  }

// kernel: kernel.8.cloned.1.call-start
scs
__scs_entry_jumppad:
0x0: {  	(pc) =	sbr.rel $0x88, $3  }
0x1: {  	(tag) =	ssettag $0x0;
	lr =	simm.s32 $0x1  }
0x2: {  	[smem:$0x3F94] =	sst lr;
	_ =	strace $0xD0000000  }
0x3: {  	_ = 	snop  }
0x4: {  	_ = 	snop  }
0x5: {  	_ = 	snop  }
0x6: {  	_ = 	snop  }
0x7: {  	_ = 	snop  }
__scs_overlays_trampoline_lowered:
0x8: {  	[smem:$0x3FA3] =	sst s0  }
0x9: {  	[smem:$0x3FA4] =	sst s1  }
0xa: {  	[smem:$0x3FA5] =	sst s2  }
0xb: {  	[smem:$0x3FA6] =	sst s3  }
0xc: {  	[smem:$0x3FA7] =	sst s4  }
0xd: {  	[smem:$0x3FA8] =	sst s5  }
0xe: {  	[smem:$0x3FA9] =	sst s6  }
0xf: {  	[smem:$0x3FAA] =	sst s7  }
0x10: {  	[smem:$0x3FAB] =	sst s8  }
0x11: {  	[smem:$0x3FAC] =	sst s9;
	s0 =	simm.s32 @!p0 $0x0  }
0x12: {  	s1 =	sld [smem:$0x3F92];
	s0 =	simm.s32 @p0 $0x1  }
0x13: {  	[smem:$0x3FAD] =	sst s0;
	s0 =	simm.s32 @!p1 $0x0  }
0x14: {  	s2 =	sld [smem:$0x3F91];
	s0 =	simm.s32 @p1 $0x1  }
0x15: {  	[smem:$0x3FAE] =	sst s0;
	s0 =	simm.s32 @!p2 $0x0  }
0x16: {  	s3 =	sld [smem:$0x3FDB];
	s0 =	simm.s32 @p2 $0x1  }
0x17: {  	s4 =	simm.s32 $0x1BF5;
	[smem:$0x3FB0] =	sst s0  }
0x18: {  	s0 =	sld [smem:$0x3F93];
	_ =	swait.ge [sflag:s4], $0x0  }
0x19: {  	s7 =	sld [smem:$0x3F94]  }
0x1a: {  	s8 =	sadd.s32 $0xFFFFE003, lr  }
0x1b: {  	s9 =	sadd.s32 $0xFFFFFEF7, lr;
	s5 =	simm.s32 $0xFFFFFFFF;
	p2 =	slt.u32 s8, $0xFFFFF086  }
0x1c: {  	p1 =	slt.u32 s9, $0xF7A;
	s5 =	simm.s32 @!p2 $0x0  }
0x1d: {  	s5 =	simm.s32 @p1 $0x1;
	p0 =	seq.s32 s7, s2  }
0x1e: {  	s7 =	smul.u32 @!p0 $0xF7A, s2;
	p2 =	seq.s32 @!p0 s5, $0x0  }
0x1f: {  	s9 =	smul.u32 $0xF7A, s1;
	s8 =	simm.s32 @!p0 $0x1BF5;
	p2 =	por !p2, p0  }
0x20: {  	[sflag:s8] =	ssyncset.s32 @!p0 $0xFFFFF086;
	s6 =	sadd.s32 @!p0 s3, s7;
	s7 =	simm.s32 @!p0 $0x108  }
0x21: {  	s3 =	sadd.s32 s3, s9;
	s6 =	sadd.s32 @!p0 $0x88, s6;
	s7 =	simm.s32 @p2 $0x1082  }
0x22: {  	[simem:s7], [sflag:s8] =	dma.local @!p0 [hbm:s6], $0xF7A  }
0x23: {  	s9 =	sor.u32 $0xD0000000, s2;
	s6 =	simm.s32 $0x108;
	_ =	swait.ge @!p0 [sflag:s8], $0x0  }
0x24: {  	s3 =	sadd.s32 $0x88, s3;
	s6 =	simm.s32 @!p1 $0x1082;
	[sflag:s4] =	ssyncset.s32 $0xFFFFF086  }
0x25: {  	[simem:s6], [sflag:s4] =	dma.local [hbm:s3], $0xF7A  }
0x26: {  	[smem:$0x3F94] =	sst s1;
	(tag) =	ssettag s2;
	_ =	strace s9  }
0x27: {  	s1 =	sld [smem:$0x3FA4]  }
0x28: {  	s2 =	sld [smem:$0x3FA5]  }
0x29: {  	s4 =	sld [smem:$0x3FA7]  }
0x2a: {  	p0 =	seq.s32 s5, $0x0;
	s5 =	sld [smem:$0x3FA8]  }
0x2b: {  	s6 =	sld [smem:$0x3FA9]  }
0x2c: {  	s7 =	sld [smem:$0x3FAA]  }
0x2d: {  	s3 =	simm.s32 $0x108;
	s8 =	sld [smem:$0x3FAB]  }
0x2e: {  	s3 =	simm.s32 @!p0 $0x1082;
	s9 =	sld [smem:$0x3FAC]  }
0x2f: {  	lr =	sadd.s32 s0, s3;
	s0 =	sld [smem:$0x3FA3]  }
0x30: {  	s3 =	sld [smem:$0x3FA6]  }
0x31: {  	[smem:$0x3FAF] =	sst s10  }
0x32: {  	s10 =	sld [smem:$0x3FAD];
	_ =	sdelay $0x3  }
0x33: {  	p0 =	seq.s32 s10, $0x1;
	s10 =	sld [smem:$0x3FAF];
	_ =	sdelay $0x3  }
0x34: {  	[smem:$0x3FAF] =	sst s10  }
0x35: {  	s10 =	sld [smem:$0x3FAE];
	_ =	sdelay $0x3  }
0x36: {  	p1 =	seq.s32 s10, $0x1;
	s10 =	sld [smem:$0x3FAF];
	_ =	sdelay $0x3  }
0x37: {  	[smem:$0x3FAF] =	sst s10  }
0x38: {  	s10 =	sld [smem:$0x3FB0]  }
0x39: {  	_ = 	snop;
	(pc) =	sbr.ind lr, $3  }
0x3a: {  	_ = 	snop  }
0x3b: {  	_ = 	snop  }
0x3c: {  	p2 =	seq.s32 s10, $0x1;
	s10 =	sld [smem:$0x3FAF]  }
0x3d: {  	_ =	shalt  }
0x3e: {  	_ =	shalt  }
0x3f: {  	_ =	shalt  }
0x40: {  	_ =	shalt  }
0x41: {  	_ =	shalt  }
0x42: {  	_ =	shalt  }
0x43: {  	_ =	shalt  }
0x44: {  	_ =	shalt  }
0x45: {  	_ =	shalt  }
0x46: {  	_ =	shalt  }
0x47: {  	_ =	shalt  }
0x48: {  	_ =	shalt  }
0x49: {  	_ =	shalt  }
0x4a: {  	_ =	shalt  }
0x4b: {  	_ =	shalt  }
0x4c: {  	_ =	shalt  }
0x4d: {  	_ =	shalt  }
0x4e: {  	_ =	shalt  }
0x4f: {  	_ =	shalt  }
0x50: {  	_ =	shalt  }
0x51: {  	_ =	shalt  }
0x52: {  	_ =	shalt  }
0x53: {  	_ =	shalt  }
0x54: {  	_ =	shalt  }
0x55: {  	_ =	shalt  }
0x56: {  	_ =	shalt  }
0x57: {  	_ =	shalt  }
0x58: {  	_ =	shalt  }
0x59: {  	_ =	shalt  }
0x5a: {  	_ =	shalt  }
0x5b: {  	_ =	shalt  }
0x5c: {  	_ =	shalt  }
0x5d: {  	_ =	shalt  }
0x5e: {  	_ =	shalt  }
0x5f: {  	_ =	shalt  }
0x60: {  	_ =	shalt  }
0x61: {  	_ =	shalt  }
0x62: {  	_ =	shalt  }
0x63: {  	_ =	shalt  }
0x64: {  	_ =	shalt  }
0x65: {  	_ =	shalt  }
0x66: {  	_ =	shalt  }
0x67: {  	_ =	shalt  }
0x68: {  	_ =	shalt  }
0x69: {  	_ =	shalt  }
0x6a: {  	_ =	shalt  }
0x6b: {  	_ =	shalt  }
0x6c: {  	_ =	shalt  }
0x6d: {  	_ =	shalt  }
0x6e: {  	_ =	shalt  }
0x6f: {  	_ =	shalt  }
0x70: {  	_ =	shalt  }
0x71: {  	_ =	shalt  }
0x72: {  	_ =	shalt  }
0x73: {  	_ =	shalt  }
0x74: {  	_ =	shalt  }
0x75: {  	_ =	shalt  }
0x76: {  	_ =	shalt  }
0x77: {  	_ =	shalt  }
0x78: {  	_ =	shalt  }
0x79: {  	_ =	shalt  }
0x7a: {  	_ =	shalt  }
0x7b: {  	_ =	shalt  }
0x7c: {  	_ =	shalt  }
0x7d: {  	_ =	shalt  }
0x7e: {  	_ =	shalt  }
0x7f: {  	_ =	shalt  }
0x80: {  	_ =	shalt  }
0x81: {  	_ =	shalt  }
0x82: {  	_ =	shalt  }
0x83: {  	_ =	shalt  }
0x84: {  	_ =	shalt  }
0x85: {  	_ =	shalt  }
0x86: {  	_ =	shalt  }
0x87: {  	_ =	shalt  }
.Lfunc_end0:
.L_simem_size_0:
called_computation_lowered:
.L_overlay_start_0:
0x88: {  	s2 =	sld [smem:$0x3FD9]  }
0x89: {  	s3 =	sld [smem:$0x3FFE];
	_ =	sdelay $0x1  }
0x8a: {  	s1 =	srdreg.scid  }
0x8b: {  	s0 =	sand.u32 $0x1, s1  }
0x8c: {  	s16 =	sshll.u32 s0, $0xA;
	s2 =	sadd.s32 s3, s2  }
0x8d: {  	s2 =	sadd.s32 s2, s16  }
0x8e: {  	[smem:$0x3FBB] =	sst s2  }
0x8f: {  	_ = 	snop  }
0x90: {  	(tm) =	ssettm $0x1  }
0x91: {  	s17 =	sld [smem:$0x3FFB];
	_ =	sdelay $0x3  }
0x92: {  	_ =	strace s17  }
0x93: {  	s2 =	sld [smem:$0x3FFC];
	_ =	sdelay $0x3  }
0x94: {  	_ =	strace s2  }
0x95: {  	s2 =	sld [smem:$0x3FFD];
	_ =	sdelay $0x3  }
0x96: {  	_ =	strace s2  }
0x97: {  	_ =	strace $0x8FFFFFFF  }
0x98: {  	s18 =	sld [smem:$0x3FDB];
	_ =	sdelay $0x1  }
0x99: {  	s19 =	simm.s32 $_scs_section_size  }
0x9a: {  	s4 =	simm.s32 $_size__tile_overlayer_lowered;
	s5 =	simm.s32 $_tile_overlayer_lowered  }
0x9b: {  	s22 =	simm.s32 $0x1BFF;
	s21 =	sshll.u32 s5, $0x1;
	s2 =	sadd.s32 s19, s18  }
0x9c: {  	s6 =	simm.s32 $0x0;
	s20 =	sshll.u32 s4, $0x1;
	s4 =	sadd.s32 s21, s2  }
0x9d: {  	[timem:s6], [sflag:s22] =	dma.local [hbm:s4], s20  }
0x9e: {  	_ =	swait.ge [sflag:s22], s20  }
0x9f: {  	s3 =	ssub.s32 $0x0, s20;
	[sflag:s22] =	ssyncset.done $0x0  }
0xa0: {  	[sflag:s22] =	ssyncadd.s32 s3;
	_ =	sdelay $0x1  }
0xa1: {  	s23 =	simm.s32 $0x1B8B  }
0xa2: {  	_ =	swait.ge [sflag:s23], $0x1  }
0xa3: {  	[sflag:s23] =	ssyncset.done $0x0  }
0xa4: {  	s25 =	simm.s32 $0x1B8E;
	s24 =	sld [smem:$0x3FFE];
	[sflag:s23] =	ssyncadd.s32 $0xFFFFFFFF  }
0xa5: {  	s26 =	simm.s32 $execute0_lowered;
	[smem:$0x3FD2] =	sst s25  }
0xa6: {  	s4 =	sshll.u32 s26, $0x1;
	_ =	strace $0x80000046;
	[dreg:$0x1] =	wrdreg $0xFFFFFFFF  }
0xa7: {  	s28 =	simm.s32 $_size_execute0_lowered;
	s2 =	sadd.s32 s2, s4;
	[dreg:$0x0] =	wrdreg $0x0  }
0xa8: {  	s4 =	sshll.u32 s28, $0x1;
	[dreg:$0x2] =	wrdreg s2  }
0xa9: {  	[dreg:$0x3] =	wrdreg s4  }
0xaa: {  	[dreg:$0x4] =	wrdreg $0xC0  }
0xab: {  	_ =	task [dreg:s6], $0x5FFFF  }
0xac: {  	[dreg:$0x1] =	wrdreg $0xFFFFFFFF  }
0xad: {  	[dreg:$0x0] =	wrdreg $0x60  }
0xae: {  	[dreg:$0x2] =	wrdreg s24  }
0xaf: {  	[dreg:$0x3] =	wrdreg $0x30000  }
0xb0: {  	[dreg:$0x4] =	wrdreg $0x9  }
0xb1: {  	_ =	task.clear_ibuf [dreg:s6], $0x5FFFF;
	_ =	strace $0x90000046  }
0xb2: {  	s29 =	simm.s32 $0x9;
	_ =	strace $0x80000048  }
0xb3: {  	_ =	swait.ge [sflag:s29], $0x1  }
0xb4: {  	[sflag:s29] =	ssyncadd.s32 $0xFFFFFFFF  }
0xb5: {  	_ =	strace $0x90000048  }
0xb6: {  	_ =	sfence  }
0xb7: {  	s30 =	sld [smem:$0x0];
	_ =	sdelay $0x2  }
0xb8: {  	s31 =	sshll.u32 s1, $0xD;
	s1 =	sshrl.u32 s1, $0x2  }
0xb9: {  	s3 =	sand.u32 $0x4000, s31;
	s1 =	sadd.s32 s1, s30  }
0xba: {  	s0 =	sor.u32 s3, s0;
	s1 =	sshll.u32 s1, $0x11  }
0xbb: {  	s0 =	sor.u32 s1, s0  }
0xbc: {  	s0 =	sadd.s32 $0x8F2B, s0  }
0xbd: {  	[sflag:s0] =	ssyncadd.remote.s32 $0x1  }
0xbe: {  	_ =	sfence.sel $0xFFFF  }
0xbf: {  	[dreg:$0x0] =	wrdreg $0xFFFFFFFF;
	(pc) =	sbr.abs _section_cstart, $3  }
0xc0: {  	[dreg:$0x1] =	wrdreg $0xFFFFFFFF  }
0xc1: {  	_ =	task.clear_ibuf [dreg:s6], $0x2FFFF;
	_ =	strace $0x9FFFFFFF  }
0xc2: {  	(tm) =	ssettm $0x7FFFFFFF  }
0xc3: {  	_ =	shalt  }
tec
execute0_lowered:
.L_overlay_start_1:
0x0: {  	(tag) =	ssettag $0x1  }
0x1: {  	s1 =	srdreg.scid;
	s5 =	rddreg [dreg:$0x0]  }
0x2: {  	s0 =	stileid.u32;
	s2 =	rddreg [dreg:$0x1];
	s3 =	simm.s32 $0x0  }
0x3: {  	s13 =	simm.s32 $0x80;
	s14 =	simm.s32 $0x0;
	s4 =	sand.u32 $0x1, s1  }
0x4: {  	s30 =	sshll.u32 s0, $0x1;
	s7 =	smul.u32 $0x2800, s0;
	[smem:$0x7FF] =	sst s3  }
0x5: {  	s11 =	sshll.u32 s0, $0x6;
	s1 =	sor.u32 s4, s30;
	s8 =	smul.u32 $0x28000, s4  }
0x6: {  	s9 =	ssub.s32 $0x2, s4;
	s4 =	sadd.s32 $0xCA00, s5;
	s11 =	sor.u32 $0x1C01, s11  }
0x7: {  	s6 =	smul.u32 $0x500, s1;
	s1 =	rddreg [dreg:$0x2];
	_ =	strace $0x80000047  }
0x8: {  	s10 =	sshrl.u32 s9, $0x1;
	s31 =	sshrl.u32 s7, $0x3;
	s12 =	sadd.s32 s7, s2  }
0x9: {  	s8 =	sadd.s32 s7, s8;
	s9 =	ssub.s32 s9, s10;
	s10 =	simm.s32 $0x2800  }
0xa: {  	s12 =	sshrl.u32 s12, $0x3;
	s6 =	sadd.s32 s6, s5;
	s8 =	sshrl.u32 s8, $0x3  }
0xb: {  	s8 =	sadd.s32 s8, s5;
	s5 =	sadd.s32 $0x2A00, s6;
	s6 =	sadd.s32 s4, s31  }
0xc: {  	s7 =	sadd.s32 $0x11A00, s8;
	s8 =	smax.u32 s9, $0x1;
	s9 =	simm.s32 $0x1  }
.LBB2_1:
0xd: {  	[tilespmem:s3], [sflag:$0x1] =	stream.linear.gather [hbm4b:s5+s3], $0x2800, $0x38;
	[tilespmem:$0x5800] =	vst v63  }
0xe: {  	_ =	swait.ge [sflag:s9], $0x2800  }
0xf: {  	[sflag:s9] =	ssyncset.done $0x0  }
0x10: {  	[sflag:s9] =	ssyncadd.s32 $0xFFFFD800  }
0x11: {  	[tilespmem:s10], [sflag:$0x1] =	stream.linear.gather [hbm4b:s4+s3], $0x800, $0x38;
	[tilespmem:$0x5800] =	vst v63  }
0x12: {  	_ =	swait.ge [sflag:s9], $0x800  }
0x13: {  	[sflag:s9] =	ssyncset.done $0x0  }
0x14: {  	[sflag:s9] =	ssyncadd.s32 $0xFFFFF800  }
0x15: {  	[spmem:s12], [sflag:s11] =	dma.local [hbm:s6], $0x500  }
0x16: {  	_ =	swait.ge [sflag:s9], $0x500  }
0x17: {  	[sflag:s9] =	ssyncset.done $0x0  }
0x18: {  	[sflag:s9] =	ssyncadd.s32 $0xFFFFFB00  }
0x19: {  	s15 =	simm.s32 $0x0;
	[bflag:$0x0] =	sbarrier.arrive $0xFFFF  }
0x1a: {  	[spmem:s2] =	stream.indirect.scatter.add.f32 [tilespmem:s10], [sflag:$0x1], $0x10, s15, s13, $0xb8;
	[tilespmem:$0x5800] =	vst v63  }
0x1b: {  	_ =	swait.ge [sflag:s9], $0x800  }
0x1c: {  	s15 =	simm.s32 $0x200;
	[sflag:s9] =	ssyncset.done $0x0  }
.LBB2_2:
0x1d: {  	s16 =	sshra.s32 s15, $0x2;
	[sflag:s9] =	ssyncadd.s32 $0xFFFFF800;
	p0 =	sne.s32 s15, $0x9E00  }
0x1e: {  	[spmem:s2] =	stream.indirect.scatter.add.f32 [tilespmem:s10], [sflag:$0x1], $0x10, s16, s13, $0xb8;
	[tilespmem:$0x5800] =	vst v63  }
.Ltmp0:
0x1f: {  	_ = 	snop;
	(pc) =	sbr.rel @p0 .LBB2_2-.Ltmp0, $4  }
0x20: {  	_ = 	snop  }
0x21: {  	s15 =	sadd.s32 $0x200, s15  }
0x22: {  	_ =	swait.ge [sflag:s9], $0x800  }
0x23: {  	[sflag:s9] =	ssyncset.done $0x0  }
0x24: {  	s14 =	sadd.s32 $0x1, s14  }
0x25: {  	[sflag:s9] =	ssyncadd.s32 $0xFFFFF800;
	p0 =	sne.s32 s14, s8  }
.Ltmp1:
0x26: {  	[bflag:$0x0] =	sbarrier.arrive $0xFFFF;
	(pc) =	sbr.rel @p0 .LBB2_1-.Ltmp1, $4  }
0x27: {  	[hbm:s7], [sflag:s11] =	dma.local [spmem:s12], $0x500  }
0x28: {  	_ =	swait.ge [sflag:s9], $0x500  }
0x29: {  	[sflag:s9] =	ssyncset.done $0x0  }
0x2a: {  	[sflag:s9] =	ssyncadd.s32 $0xFFFFFB00  }
0x2b: {  	_ =	sfence.sel $0x180000  }
0x2c: {  	[bflag:$0x0] =	sbarrier.arrive $0xFFFF  }
0x2d: {  	p0 =	sne.s32 s0, $0x0;
	_ =	strace $0x90000047  }
0x2e: {  	s0 =	sadd.s32 @!p0 $0x100000, s1;
	[bflag:$0x2] =	sbarrier.arrive $0xFFFF  }
0x2f: {  	[sflag:s0] =	ssyncadd.tile.s32 @!p0 $0x1;
	_ =	shalt  }
.Lfunc_end2:
_tile_overlayer_lowered:
.L_overlay_start_2:
0x30: {  	(tag) =	ssettag $0x2  }
0x31: {  	s0 =	rddreg [dreg:$0x0];
	s2 =	stileid.u32  }
0x32: {  	s1 =	rddreg [dreg:$0x1];
	p0 =	sne.s32 s2, $0x0  }
0x33: {  	s3 =	rddreg [dreg:$0x2];
	[bflag:$0x3] =	sbarrier.arrive $0xFFFF;
	s2 =	simm.s32 @!p0 $0x1C01  }
0x34: {  	[timem:s3], [sflag:s2] =	dma.local @!p0 [hbm:s0], s1  }
0x35: {  	s0 =	simm.s32 @!p0 $0x1  }
0x36: {  	_ =	swait.ge @!p0 [sflag:s0], s1  }
0x37: {  	s1 =	ssub.s32 @!p0 $0x0, s1;
	[sflag:s0] =	ssyncset.done @!p0 $0x0  }
0x38: {  	[sflag:s0] =	ssyncadd.s32 @!p0 s1  }
0x39: {  	[bflag:$0x3] =	sbarrier.arrive $0xFFFF  }
0x3a: {  	_ =	shalt  }

</sc_bundles>
